<compile_context>
chip_gen: v7x
topology: tpu7x:2x2x1
jax: 0.10.2.dev20260603
libtpu: 0.0.44.dev20260713+nightly
codegen_flags: <defaults>
</compile_context>

<pallas_src>
import functools

import jax
import jax.numpy as jnp
from jax import lax
from jax.experimental import pallas as pl
from jax.experimental.pallas import tpu as pltpu
from jax.experimental.pallas import tpu_sc as plsc

_N = 4096
_TP = 2 * _N
_BC = _TP + 256
_NW = 32
_G = 8


def _sc_body(tab_hbm, out_hbm, raw_v, w_v, b_v, sem):
    cid = lax.axis_index("c")
    sid = lax.axis_index("s")
    wid = sid * 2 + cid
    m = lax.rem(wid, 16)
    h = wid // 16

    pltpu.sync_copy(tab_hbm, raw_v)

    @plsc.parallel_loop(0, _TP // 16, unroll=2)
    def _build(c):
        x = raw_v[pl.ds(c * 16, 16)]
        x = jnp.minimum(jnp.maximum(x, -5.0), 5.0)
        x = jnp.where(x != x, jnp.float32(0.0), x)
        w_v[pl.ds(8176 - c * 16, 16)] = lax.rev(x, (0,))

    def fill_range(base, n):
        @plsc.parallel_loop(0, n * 8, unroll=1)
        def _fill(j):
            col = base * 128 + j * 16
            src0 = col - 8 * m
            for r in range(_G):
                b_v[r, pl.ds(col, 16)] = w_v[pl.ds(src0 - r, 16)]

    def fire(k):
        c0 = pl.multiple_of(_N - 128 * k, 128)
        i0 = pl.multiple_of(128 * k + 8 * m, _G)
        return pltpu.async_copy(
            b_v.at[:, pl.ds(c0, _N)], out_hbm.at[pl.ds(i0, _G)], sem
        )

    k_first = 31 * h
    base_a = jnp.where(h == 0, 32, 1)
    base_b = jnp.where(h == 0, 17, 33)
    fill_range(base_a, 32)
    fire(k_first)
    fill_range(base_b, 15)

    @pl.loop(0, 15)
    def _fire_rest(g):
        fire(jnp.where(h == 0, 1 + g, 16 + g))

    @pl.loop(0, 16)
    def _drain(g):
        pltpu.make_async_copy(
            b_v.at[:, pl.ds(0, _N)], out_hbm.at[pl.ds(0, _G)], sem
        ).wait()


@functools.partial(jax.jit, static_argnums=())
def _toeplitz_bias(tab):
    f = pl.kernel(
        _sc_body,
        out_type=jax.ShapeDtypeStruct((_N, _N), jnp.float32),
        mesh=plsc.VectorSubcoreMesh(core_axis_name="c", subcore_axis_name="s"),
        scratch_types=[
            pltpu.VMEM((_TP,), jnp.float32),
            pltpu.VMEM((_TP,), jnp.float32),
            pltpu.VMEM((_G, _BC), jnp.float32),
            pltpu.SemaphoreType.DMA,
        ],
    )
    return f(tab)


def kernel(rel_bias, seq_len):
    del seq_len
    flat = rel_bias.reshape(-1)
    tab = jnp.pad(flat, (0, _TP - flat.shape[0]))
    return _toeplitz_bias(tab)

# --- scband reference (transcript-rebuilt; emitter-appended) ---
"""Pipeline reference for scband-relative-position-bias-3659312136211 (READ-ONLY COPY).

The authoritative reference and input builder live on the scoring server;
editing this copy changes nothing except your own understanding.
"""

import jax, jax.numpy as jnp
import numpy as np

MAX_LEN = 4096


def setup_inputs(seed: int = 0) -> dict:
    key = jax.random.key(seed)
    # learned parameter: nn.Embedding(2*max_len-1, 1) weight
    rel_bias = jax.random.normal(key, (2 * MAX_LEN - 1, 1), dtype=jnp.float32) * 0.02
    return {"rel_bias": rel_bias, "seq_len": 4096}


def reference(rel_bias, seq_len):
    n = (rel_bias.shape[0] + 1) // 2
    i = jnp.arange(n)
    j = jnp.arange(n)
    rel = jnp.clip(i[:, None] - j[None, :], -(MAX_LEN - 1), MAX_LEN - 1)
    idx = rel + (seq_len - n) + (MAX_LEN - 1)
    bias = jnp.take(rel_bias, idx, axis=0)[..., 0]  # embedding lookup + squeeze(-1)
    bias = jnp.clip(bias, -5.0, 5.0)
    bias = jnp.nan_to_num(bias, nan=0.0, neginf=-5.0, posinf=5.0)
    return bias

if __name__ == "__main__":
    import jax
    _d = setup_inputs()
    print(jax.jit(kernel)(*tuple(_d.values())))

</pallas_src>

<mosaic_0001>
#map = affine_map<(d0, d1) -> (0)>
#map1 = affine_map<(d0, d1) -> (0, 0)>
module attributes {stable_mosaic.version = 14 : i64} {
  func.func @_sc_body(%arg0: i32, %arg1: i32, %arg2: memref<8192xf32, #tpu.memory_space<hbm>>, %arg3: memref<4096x4096xf32, #tpu.memory_space<hbm>>, %arg4: memref<8192xf32, #tpu.memory_space<vmem>>, %arg5: memref<8192xf32, #tpu.memory_space<vmem>>, %arg6: memref<8x8448xf32, #tpu.memory_space<vmem>>, %arg7: memref<!tpu.dma_semaphore, #tpu.memory_space<semaphore_mem>>) attributes {dimension_semantics = [#tpu.dimension_semantics<core_parallel>, #tpu.dimension_semantics<subcore_parallel>], iteration_bounds = array<i64: 2, 16>, scalar_prefetch = 0 : i64, scratch_operands = 4 : i64, tpu.core_type = #tpu.core_type<sc_vector_subcore>, window_params = [{transform_indices = #map}, {transform_indices = #map1}]} {
    %mul3A = arith.constant 2 : i32
    %mul3A_0 = arith.muli %arg1, %mul3A : i32
    %add3A = arith.addi %mul3A_0, %arg0 : i32
    %rem3A = arith.constant 16 : i32
    %rem3A_1 = arith.remsi %add3A, %rem3A : i32
    %jit3A = arith.constant 16 : i32
    %div3A = arith.divsi %add3A, %jit3A : i32
    %sign3A = arith.constant 0 : i32
    %sign3A_2 = arith.cmpi sgt, %add3A, %sign3A : i32
    %sign3A_3 = arith.extui %sign3A_2 : i1 to i32
    %sign3A_4 = arith.constant 0 : i32
    %sign3A_5 = arith.cmpi slt, %add3A, %sign3A_4 : i32
    %sign3A_6 = arith.extui %sign3A_5 : i1 to i32
    %sign3A_7 = arith.subi %sign3A_3, %sign3A_6 : i32
    %sign3A_8 = arith.constant 0 : i32
    %sign3A_9 = arith.cmpi sgt, %jit3A, %sign3A_8 : i32
    %sign3A_10 = arith.extui %sign3A_9 : i1 to i32
    %sign3A_11 = arith.constant 0 : i32
    %sign3A_12 = arith.cmpi slt, %jit3A, %sign3A_11 : i32
    %sign3A_13 = arith.extui %sign3A_12 : i1 to i32
    %sign3A_14 = arith.subi %sign3A_10, %sign3A_13 : i32
    %ne3A = arith.cmpi ne, %sign3A_7, %sign3A_14 : i32
    %rem3A_15 = arith.remsi %add3A, %jit3A : i32
    %ne3A_16 = arith.constant 0 : i32
    %ne3A_17 = arith.cmpi ne, %rem3A_15, %ne3A_16 : i32
    %and3A = arith.andi %ne3A, %ne3A_17 : i1
    %sub3A = arith.constant 1 : i32
    %sub3A_18 = arith.subi %div3A, %sub3A : i32
    %select_n3A = arith.select %and3A, %sub3A_18, %div3A : i32
    "tpu.region"() ({
      %run_scoped3A = tpu.sem_alloc : memref<!tpu.dma_semaphore, #tpu.memory_space<semaphore_mem>>
      tpu.enqueue_dma source(%arg2 : memref<8192xf32, #tpu.memory_space<hbm>>) target(%arg4 : memref<8192xf32, #tpu.memory_space<vmem>>) target_semaphore(%run_scoped3A : memref<!tpu.dma_semaphore, #tpu.memory_space<semaphore_mem>>)
      tpu.wait_dma2 semaphore(%run_scoped3A : memref<!tpu.dma_semaphore, #tpu.memory_space<semaphore_mem>>) src(%arg2 : memref<8192xf32, #tpu.memory_space<hbm>>) dst(%arg4 : memref<8192xf32, #tpu.memory_space<vmem>>)
      tpu.yield
    }) : () -> ()
    %parallel_loop3A = arith.constant 0 : i32
    %parallel_loop3A_19 = arith.constant 512 : i32
    %parallel_loop3A_20 = arith.constant 1 : i32
    scf.for %parallel_loop3A_64 = %parallel_loop3A to %parallel_loop3A_19 step %parallel_loop3A_20  : i32 {
      %parallel_loop3A_65 = arith.constant 16 : i32
      %parallel_loop3A_66 = arith.muli %parallel_loop3A_64, %parallel_loop3A_65 : i32
      %parallel_loop3A_67 = arith.index_cast %parallel_loop3A_66 : i32 to index
      %parallel_loop3A_68 = tpu.vector_load %arg4[%parallel_loop3A_67] {strides = array<i32>} : memref<8192xf32, #tpu.memory_space<vmem>>, vector<16xf32>,
      %parallel_loop3A_69 = vector.shape_cast %parallel_loop3A_68 : vector<16xf32> to vector<16xf32>
      %parallel_loop3A_70 = arith.constant -5.000000e+00 : f32
      %parallel_loop3A_71 = vector.broadcast %parallel_loop3A_70 : f32 to vector<16xf32>
      %parallel_loop3A_72 = arith.maximumf %parallel_loop3A_69, %parallel_loop3A_71 : vector<16xf32>
      %parallel_loop3A_73 = arith.constant 5.000000e+00 : f32
      %parallel_loop3A_74 = vector.broadcast %parallel_loop3A_73 : f32 to vector<16xf32>
      %parallel_loop3A_75 = arith.minimumf %parallel_loop3A_72, %parallel_loop3A_74 : vector<16xf32>
      %parallel_loop3A_76 = arith.cmpf one, %parallel_loop3A_75, %parallel_loop3A_75 : vector<16xf32>
      %parallel_loop3A_77 = arith.constant 0.000000e+00 : f32
      %parallel_loop3A_78 = vector.broadcast %parallel_loop3A_77 : f32 to vector<16xf32>
      %parallel_loop3A_79 = arith.select %parallel_loop3A_76, %parallel_loop3A_78, %parallel_loop3A_75 : vector<16xi1>, vector<16xf32>
      %parallel_loop3A_80 = arith.constant 15 : i32
      %parallel_loop3A_81 = vector.broadcast %parallel_loop3A_80 : i32 to vector<16xi32>
      %parallel_loop3A_82 = tpu.iota {dimensions = array<i32: 0>} : vector<16xi32>
      %parallel_loop3A_83 = arith.subi %parallel_loop3A_81, %parallel_loop3A_82 : vector<16xi32>
      %parallel_loop3A_84 = tpu.dynamic_gather %parallel_loop3A_79[%parallel_loop3A_83] in [0] : vector<16xf32>, vector<16xi32> -> vector<16xf32>
      %parallel_loop3A_85 = arith.constant 16 : i32
      %parallel_loop3A_86 = arith.muli %parallel_loop3A_64, %parallel_loop3A_85 : i32
      %parallel_loop3A_87 = arith.constant 8176 : i32
      %parallel_loop3A_88 = arith.subi %parallel_loop3A_87, %parallel_loop3A_86 : i32
      %parallel_loop3A_89 = arith.index_cast %parallel_loop3A_88 : i32 to index
      %parallel_loop3A_90 = tpu.vector_load %arg5[%parallel_loop3A_89] {strides = array<i32>} : memref<8192xf32, #tpu.memory_space<vmem>>, vector<16xf32>,
      %parallel_loop3A_91 = vector.shape_cast %parallel_loop3A_90 : vector<16xf32> to vector<16xf32>
      %parallel_loop3A_92 = vector.shape_cast %parallel_loop3A_84 : vector<16xf32> to vector<16xf32>
      tpu.vector_store %arg5[%parallel_loop3A_89], %parallel_loop3A_92 {strides = array<i32>} : memref<8192xf32, #tpu.memory_space<vmem>>, vector<16xf32>,
    } {sc.loop_unroll_factor = 2 : i64, sc.parallel_access}
    %mul3A_21 = arith.constant 31 : i32
    %mul3A_22 = arith.muli %mul3A_21, %select_n3A : i32
    %eq3A = arith.constant 0 : i32
    %eq3A_23 = arith.cmpi eq, %select_n3A, %eq3A : i32
    %jit3A_24 = arith.constant 32 : i32
    %jit3A_25 = arith.constant 1 : i32
    %select_n3A_26 = arith.select %eq3A_23, %jit3A_24, %jit3A_25 : i32
    %eq3A_27 = arith.constant 0 : i32
    %eq3A_28 = arith.cmpi eq, %select_n3A, %eq3A_27 : i32
    %jit3A_29 = arith.constant 17 : i32
    %jit3A_30 = arith.constant 33 : i32
    %select_n3A_31 = arith.select %eq3A_28, %jit3A_29, %jit3A_30 : i32
    %parallel_loop3A_32 = arith.constant 0 : i32
    %parallel_loop3A_33 = arith.constant 256 : i32
    %parallel_loop3A_34 = arith.constant 1 : i32
    scf.for %parallel_loop3A_64 = %parallel_loop3A_32 to %parallel_loop3A_33 step %parallel_loop3A_34  : i32 {
      %parallel_loop3A_65 = arith.constant 128 : i32
      %parallel_loop3A_66 = arith.muli %select_n3A_26, %parallel_loop3A_65 : i32
      %parallel_loop3A_67 = arith.constant 16 : i32
      %parallel_loop3A_68 = arith.muli %parallel_loop3A_64, %parallel_loop3A_67 : i32
      %parallel_loop3A_69 = arith.addi %parallel_loop3A_66, %parallel_loop3A_68 : i32
      %parallel_loop3A_70 = arith.constant 8 : i32
      %parallel_loop3A_71 = arith.muli %parallel_loop3A_70, %rem3A_1 : i32
      %parallel_loop3A_72 = arith.subi %parallel_loop3A_69, %parallel_loop3A_71 : i32
      %parallel_loop3A_73 = arith.constant 0 : i32
      %parallel_loop3A_74 = arith.subi %parallel_loop3A_72, %parallel_loop3A_73 : i32
      %parallel_loop3A_75 = arith.index_cast %parallel_loop3A_74 : i32 to index
      %parallel_loop3A_76 = tpu.vector_load %arg5[%parallel_loop3A_75] {strides = array<i32>} : memref<8192xf32, #tpu.memory_space<vmem>>, vector<16xf32>,
      %parallel_loop3A_77 = vector.shape_cast %parallel_loop3A_76 : vector<16xf32> to vector<16xf32>
      %parallel_loop3A_78 = arith.constant 0 : i32
      %parallel_loop3A_79 = arith.index_cast %parallel_loop3A_78 : i32 to index
      %parallel_loop3A_80 = arith.index_cast %parallel_loop3A_69 : i32 to index
      %parallel_loop3A_81 = tpu.vector_load %arg6[%parallel_loop3A_79, %parallel_loop3A_80] {strides = array<i32>} : memref<8x8448xf32, #tpu.memory_space<vmem>>, vector<1x16xf32>,
      %parallel_loop3A_82 = vector.shape_cast %parallel_loop3A_81 : vector<1x16xf32> to vector<16xf32>
      %parallel_loop3A_83 = vector.shape_cast %parallel_loop3A_77 : vector<16xf32> to vector<1x16xf32>
      tpu.vector_store %arg6[%parallel_loop3A_79, %parallel_loop3A_80], %parallel_loop3A_83 {strides = array<i32>} : memref<8x8448xf32, #tpu.memory_space<vmem>>, vector<1x16xf32>,
      %parallel_loop3A_84 = arith.constant 1 : i32
      %parallel_loop3A_85 = arith.subi %parallel_loop3A_72, %parallel_loop3A_84 : i32
      %parallel_loop3A_86 = arith.index_cast %parallel_loop3A_85 : i32 to index
      %parallel_loop3A_87 = tpu.vector_load %arg5[%parallel_loop3A_86] {strides = array<i32>} : memref<8192xf32, #tpu.memory_space<vmem>>, vector<16xf32>,
      %parallel_loop3A_88 = vector.shape_cast %parallel_loop3A_87 : vector<16xf32> to vector<16xf32>
      %parallel_loop3A_89 = arith.constant 1 : i32
      %parallel_loop3A_90 = arith.index_cast %parallel_loop3A_89 : i32 to index
      %parallel_loop3A_91 = arith.index_cast %parallel_loop3A_69 : i32 to index
      %parallel_loop3A_92 = tpu.vector_load %arg6[%parallel_loop3A_90, %parallel_loop3A_91] {strides = array<i32>} : memref<8x8448xf32, #tpu.memory_space<vmem>>, vector<1x16xf32>,
      %parallel_loop3A_93 = vector.shape_cast %parallel_loop3A_92 : vector<1x16xf32> to vector<16xf32>
      %parallel_loop3A_94 = vector.shape_cast %parallel_loop3A_88 : vector<16xf32> to vector<1x16xf32>
      tpu.vector_store %arg6[%parallel_loop3A_90, %parallel_loop3A_91], %parallel_loop3A_94 {strides = array<i32>} : memref<8x8448xf32, #tpu.memory_space<vmem>>, vector<1x16xf32>,
      %parallel_loop3A_95 = arith.constant 2 : i32
      %parallel_loop3A_96 = arith.subi %parallel_loop3A_72, %parallel_loop3A_95 : i32
      %parallel_loop3A_97 = arith.index_cast %parallel_loop3A_96 : i32 to index
      %parallel_loop3A_98 = tpu.vector_load %arg5[%parallel_loop3A_97] {strides = array<i32>} : memref<8192xf32, #tpu.memory_space<vmem>>, vector<16xf32>,
      %parallel_loop3A_99 = vector.shape_cast %parallel_loop3A_98 : vector<16xf32> to vector<16xf32>
      %parallel_loop3A_100 = arith.constant 2 : i32
      %parallel_loop3A_101 = arith.index_cast %parallel_loop3A_100 : i32 to index
      %parallel_loop3A_102 = arith.index_cast %parallel_loop3A_69 : i32 to index
      %parallel_loop3A_103 = tpu.vector_load %arg6[%parallel_loop3A_101, %parallel_loop3A_102] {strides = array<i32>} : memref<8x8448xf32, #tpu.memory_space<vmem>>, vector<1x16xf32>,
      %parallel_loop3A_104 = vector.shape_cast %parallel_loop3A_103 : vector<1x16xf32> to vector<16xf32>
      %parallel_loop3A_105 = vector.shape_cast %parallel_loop3A_99 : vector<16xf32> to vector<1x16xf32>
      tpu.vector_store %arg6[%parallel_loop3A_101, %parallel_loop3A_102], %parallel_loop3A_105 {strides = array<i32>} : memref<8x8448xf32, #tpu.memory_space<vmem>>, vector<1x16xf32>,
      %parallel_loop3A_106 = arith.constant 3 : i32
      %parallel_loop3A_107 = arith.subi %parallel_loop3A_72, %parallel_loop3A_106 : i32
      %parallel_loop3A_108 = arith.index_cast %parallel_loop3A_107 : i32 to index
      %parallel_loop3A_109 = tpu.vector_load %arg5[%parallel_loop3A_108] {strides = array<i32>} : memref<8192xf32, #tpu.memory_space<vmem>>, vector<16xf32>,
      %parallel_loop3A_110 = vector.shape_cast %parallel_loop3A_109 : vector<16xf32> to vector<16xf32>
      %parallel_loop3A_111 = arith.constant 3 : i32
      %parallel_loop3A_112 = arith.index_cast %parallel_loop3A_111 : i32 to index
      %parallel_loop3A_113 = arith.index_cast %parallel_loop3A_69 : i32 to index
      %parallel_loop3A_114 = tpu.vector_load %arg6[%parallel_loop3A_112, %parallel_loop3A_113] {strides = array<i32>} : memref<8x8448xf32, #tpu.memory_space<vmem>>, vector<1x16xf32>,
      %parallel_loop3A_115 = vector.shape_cast %parallel_loop3A_114 : vector<1x16xf32> to vector<16xf32>
      %parallel_loop3A_116 = vector.shape_cast %parallel_loop3A_110 : vector<16xf32> to vector<1x16xf32>
      tpu.vector_store %arg6[%parallel_loop3A_112, %parallel_loop3A_113], %parallel_loop3A_116 {strides = array<i32>} : memref<8x8448xf32, #tpu.memory_space<vmem>>, vector<1x16xf32>,
      %parallel_loop3A_117 = arith.constant 4 : i32
      %parallel_loop3A_118 = arith.subi %parallel_loop3A_72, %parallel_loop3A_117 : i32
      %parallel_loop3A_119 = arith.index_cast %parallel_loop3A_118 : i32 to index
      %parallel_loop3A_120 = tpu.vector_load %arg5[%parallel_loop3A_119] {strides = array<i32>} : memref<8192xf32, #tpu.memory_space<vmem>>, vector<16xf32>,
      %parallel_loop3A_121 = vector.shape_cast %parallel_loop3A_120 : vector<16xf32> to vector<16xf32>
      %parallel_loop3A_122 = arith.constant 4 : i32
      %parallel_loop3A_123 = arith.index_cast %parallel_loop3A_122 : i32 to index
      %parallel_loop3A_124 = arith.index_cast %parallel_loop3A_69 : i32 to index
      %parallel_loop3A_125 = tpu.vector_load %arg6[%parallel_loop3A_123, %parallel_loop3A_124] {strides = array<i32>} : memref<8x8448xf32, #tpu.memory_space<vmem>>, vector<1x16xf32>,
      %parallel_loop3A_126 = vector.shape_cast %parallel_loop3A_125 : vector<1x16xf32> to vector<16xf32>
      %parallel_loop3A_127 = vector.shape_cast %parallel_loop3A_121 : vector<16xf32> to vector<1x16xf32>
      tpu.vector_store %arg6[%parallel_loop3A_123, %parallel_loop3A_124], %parallel_loop3A_127 {strides = array<i32>} : memref<8x8448xf32, #tpu.memory_space<vmem>>, vector<1x16xf32>,
      %parallel_loop3A_128 = arith.constant 5 : i32
      %parallel_loop3A_129 = arith.subi %parallel_loop3A_72, %parallel_loop3A_128 : i32
      %parallel_loop3A_130 = arith.index_cast %parallel_loop3A_129 : i32 to index
      %parallel_loop3A_131 = tpu.vector_load %arg5[%parallel_loop3A_130] {strides = array<i32>} : memref<8192xf32, #tpu.memory_space<vmem>>, vector<16xf32>,
      %parallel_loop3A_132 = vector.shape_cast %parallel_loop3A_131 : vector<16xf32> to vector<16xf32>
      %parallel_loop3A_133 = arith.constant 5 : i32
      %parallel_loop3A_134 = arith.index_cast %parallel_loop3A_133 : i32 to index
      %parallel_loop3A_135 = arith.index_cast %parallel_loop3A_69 : i32 to index
      %parallel_loop3A_136 = tpu.vector_load %arg6[%parallel_loop3A_134, %parallel_loop3A_135] {strides = array<i32>} : memref<8x8448xf32, #tpu.memory_space<vmem>>, vector<1x16xf32>,
      %parallel_loop3A_137 = vector.shape_cast %parallel_loop3A_136 : vector<1x16xf32> to vector<16xf32>
      %parallel_loop3A_138 = vector.shape_cast %parallel_loop3A_132 : vector<16xf32> to vector<1x16xf32>
      tpu.vector_store %arg6[%parallel_loop3A_134, %parallel_loop3A_135], %parallel_loop3A_138 {strides = array<i32>} : memref<8x8448xf32, #tpu.memory_space<vmem>>, vector<1x16xf32>,
      %parallel_loop3A_139 = arith.constant 6 : i32
      %parallel_loop3A_140 = arith.subi %parallel_loop3A_72, %parallel_loop3A_139 : i32
      %parallel_loop3A_141 = arith.index_cast %parallel_loop3A_140 : i32 to index
      %parallel_loop3A_142 = tpu.vector_load %arg5[%parallel_loop3A_141] {strides = array<i32>} : memref<8192xf32, #tpu.memory_space<vmem>>, vector<16xf32>,
      %parallel_loop3A_143 = vector.shape_cast %parallel_loop3A_142 : vector<16xf32> to vector<16xf32>
      %parallel_loop3A_144 = arith.constant 6 : i32
      %parallel_loop3A_145 = arith.index_cast %parallel_loop3A_144 : i32 to index
      %parallel_loop3A_146 = arith.index_cast %parallel_loop3A_69 : i32 to index
      %parallel_loop3A_147 = tpu.vector_load %arg6[%parallel_loop3A_145, %parallel_loop3A_146] {strides = array<i32>} : memref<8x8448xf32, #tpu.memory_space<vmem>>, vector<1x16xf32>,
      %parallel_loop3A_148 = vector.shape_cast %parallel_loop3A_147 : vector<1x16xf32> to vector<16xf32>
      %parallel_loop3A_149 = vector.shape_cast %parallel_loop3A_143 : vector<16xf32> to vector<1x16xf32>
      tpu.vector_store %arg6[%parallel_loop3A_145, %parallel_loop3A_146], %parallel_loop3A_149 {strides = array<i32>} : memref<8x8448xf32, #tpu.memory_space<vmem>>, vector<1x16xf32>,
      %parallel_loop3A_150 = arith.constant 7 : i32
      %parallel_loop3A_151 = arith.subi %parallel_loop3A_72, %parallel_loop3A_150 : i32
      %parallel_loop3A_152 = arith.index_cast %parallel_loop3A_151 : i32 to index
      %parallel_loop3A_153 = tpu.vector_load %arg5[%parallel_loop3A_152] {strides = array<i32>} : memref<8192xf32, #tpu.memory_space<vmem>>, vector<16xf32>,
      %parallel_loop3A_154 = vector.shape_cast %parallel_loop3A_153 : vector<16xf32> to vector<16xf32>
      %parallel_loop3A_155 = arith.constant 7 : i32
      %parallel_loop3A_156 = arith.index_cast %parallel_loop3A_155 : i32 to index
      %parallel_loop3A_157 = arith.index_cast %parallel_loop3A_69 : i32 to index
      %parallel_loop3A_158 = tpu.vector_load %arg6[%parallel_loop3A_156, %parallel_loop3A_157] {strides = array<i32>} : memref<8x8448xf32, #tpu.memory_space<vmem>>, vector<1x16xf32>,
      %parallel_loop3A_159 = vector.shape_cast %parallel_loop3A_158 : vector<1x16xf32> to vector<16xf32>
      %parallel_loop3A_160 = vector.shape_cast %parallel_loop3A_154 : vector<16xf32> to vector<1x16xf32>
      tpu.vector_store %arg6[%parallel_loop3A_156, %parallel_loop3A_157], %parallel_loop3A_160 {strides = array<i32>} : memref<8x8448xf32, #tpu.memory_space<vmem>>, vector<1x16xf32>,
    } {sc.loop_unroll_factor = 1 : i64, sc.parallel_access}
    %mul3A_35 = arith.constant 128 : i32
    %mul3A_36 = arith.muli %mul3A_35, %mul3A_22 : i32
    %sub3A_37 = arith.constant 4096 : i32
    %sub3A_38 = arith.subi %sub3A_37, %mul3A_36 : i32
    %multiple_of3A = tpu.assume_multiple %sub3A_38, 128 : i32
    %mul3A_39 = arith.constant 128 : i32
    %mul3A_40 = arith.muli %mul3A_39, %mul3A_22 : i32
    %mul3A_41 = arith.constant 8 : i32
    %mul3A_42 = arith.muli %mul3A_41, %rem3A_1 : i32
    %add3A_43 = arith.addi %mul3A_40, %mul3A_42 : i32
    %multiple_of3A_44 = tpu.assume_multiple %add3A_43, 8 : i32
    %dma_start3A = arith.constant 0 : i32
    %dma_start3A_45 = tpu.memref_slice %arg6[%dma_start3A, %multiple_of3A] : memref<8x8448xf32, #tpu.memory_space<vmem>> -> memref<8x4096xf32, #tpu.memory_space<vmem>>
    %dma_start3A_46 = arith.constant 0 : i32
    %dma_start3A_47 = tpu.memref_slice %arg3[%multiple_of3A_44, %dma_start3A_46] : memref<4096x4096xf32, #tpu.memory_space<hbm>> -> memref<8x4096xf32, #tpu.memory_space<hbm>>
    %dma_start3A_48 = arith.constant 0 : i32
    %dma_start3A_49 = tpu.memref_slice %arg3[%multiple_of3A_44, %dma_start3A_48] : memref<4096x4096xf32, #tpu.memory_space<hbm>> -> memref<8x4096xf32, #tpu.memory_space<hbm>>
    %dma_start3A_50 = arith.constant 0 : i32
    %dma_start3A_51 = tpu.memref_slice %arg6[%dma_start3A_50, %multiple_of3A] : memref<8x8448xf32, #tpu.memory_space<vmem>> -> memref<8x4096xf32, #tpu.memory_space<vmem>>
    tpu.enqueue_dma source(%dma_start3A_51 : memref<8x4096xf32, #tpu.memory_space<vmem>>) target(%dma_start3A_49 : memref<8x4096xf32, #tpu.memory_space<hbm>>) target_semaphore(%arg7 : memref<!tpu.dma_semaphore, #tpu.memory_space<semaphore_mem>>)
    %parallel_loop3A_52 = arith.constant 0 : i32
    %parallel_loop3A_53 = arith.constant 120 : i32
    %parallel_loop3A_54 = arith.constant 1 : i32
    scf.for %parallel_loop3A_64 = %parallel_loop3A_52 to %parallel_loop3A_53 step %parallel_loop3A_54  : i32 {
      %parallel_loop3A_65 = arith.constant 128 : i32
      %parallel_loop3A_66 = arith.muli %select_n3A_31, %parallel_loop3A_65 : i32
      %parallel_loop3A_67 = arith.constant 16 : i32
      %parallel_loop3A_68 = arith.muli %parallel_loop3A_64, %parallel_loop3A_67 : i32
      %parallel_loop3A_69 = arith.addi %parallel_loop3A_66, %parallel_loop3A_68 : i32
      %parallel_loop3A_70 = arith.constant 8 : i32
      %parallel_loop3A_71 = arith.muli %parallel_loop3A_70, %rem3A_1 : i32
      %parallel_loop3A_72 = arith.subi %parallel_loop3A_69, %parallel_loop3A_71 : i32
      %parallel_loop3A_73 = arith.constant 0 : i32
      %parallel_loop3A_74 = arith.subi %parallel_loop3A_72, %parallel_loop3A_73 : i32
      %parallel_loop3A_75 = arith.index_cast %parallel_loop3A_74 : i32 to index
      %parallel_loop3A_76 = tpu.vector_load %arg5[%parallel_loop3A_75] {strides = array<i32>} : memref<8192xf32, #tpu.memory_space<vmem>>, vector<16xf32>,
      %parallel_loop3A_77 = vector.shape_cast %parallel_loop3A_76 : vector<16xf32> to vector<16xf32>
      %parallel_loop3A_78 = arith.constant 0 : i32
      %parallel_loop3A_79 = arith.index_cast %parallel_loop3A_78 : i32 to index
      %parallel_loop3A_80 = arith.index_cast %parallel_loop3A_69 : i32 to index
      %parallel_loop3A_81 = tpu.vector_load %arg6[%parallel_loop3A_79, %parallel_loop3A_80] {strides = array<i32>} : memref<8x8448xf32, #tpu.memory_space<vmem>>, vector<1x16xf32>,
      %parallel_loop3A_82 = vector.shape_cast %parallel_loop3A_81 : vector<1x16xf32> to vector<16xf32>
      %parallel_loop3A_83 = vector.shape_cast %parallel_loop3A_77 : vector<16xf32> to vector<1x16xf32>
      tpu.vector_store %arg6[%parallel_loop3A_79, %parallel_loop3A_80], %parallel_loop3A_83 {strides = array<i32>} : memref<8x8448xf32, #tpu.memory_space<vmem>>, vector<1x16xf32>,
      %parallel_loop3A_84 = arith.constant 1 : i32
      %parallel_loop3A_85 = arith.subi %parallel_loop3A_72, %parallel_loop3A_84 : i32
      %parallel_loop3A_86 = arith.index_cast %parallel_loop3A_85 : i32 to index
      %parallel_loop3A_87 = tpu.vector_load %arg5[%parallel_loop3A_86] {strides = array<i32>} : memref<8192xf32, #tpu.memory_space<vmem>>, vector<16xf32>,
      %parallel_loop3A_88 = vector.shape_cast %parallel_loop3A_87 : vector<16xf32> to vector<16xf32>
      %parallel_loop3A_89 = arith.constant 1 : i32
      %parallel_loop3A_90 = arith.index_cast %parallel_loop3A_89 : i32 to index
      %parallel_loop3A_91 = arith.index_cast %parallel_loop3A_69 : i32 to index
      %parallel_loop3A_92 = tpu.vector_load %arg6[%parallel_loop3A_90, %parallel_loop3A_91] {strides = array<i32>} : memref<8x8448xf32, #tpu.memory_space<vmem>>, vector<1x16xf32>,
      %parallel_loop3A_93 = vector.shape_cast %parallel_loop3A_92 : vector<1x16xf32> to vector<16xf32>
      %parallel_loop3A_94 = vector.shape_cast %parallel_loop3A_88 : vector<16xf32> to vector<1x16xf32>
      tpu.vector_store %arg6[%parallel_loop3A_90, %parallel_loop3A_91], %parallel_loop3A_94 {strides = array<i32>} : memref<8x8448xf32, #tpu.memory_space<vmem>>, vector<1x16xf32>,
      %parallel_loop3A_95 = arith.constant 2 : i32
      %parallel_loop3A_96 = arith.subi %parallel_loop3A_72, %parallel_loop3A_95 : i32
      %parallel_loop3A_97 = arith.index_cast %parallel_loop3A_96 : i32 to index
      %parallel_loop3A_98 = tpu.vector_load %arg5[%parallel_loop3A_97] {strides = array<i32>} : memref<8192xf32, #tpu.memory_space<vmem>>, vector<16xf32>,
      %parallel_loop3A_99 = vector.shape_cast %parallel_loop3A_98 : vector<16xf32> to vector<16xf32>
      %parallel_loop3A_100 = arith.constant 2 : i32
      %parallel_loop3A_101 = arith.index_cast %parallel_loop3A_100 : i32 to index
      %parallel_loop3A_102 = arith.index_cast %parallel_loop3A_69 : i32 to index
      %parallel_loop3A_103 = tpu.vector_load %arg6[%parallel_loop3A_101, %parallel_loop3A_102] {strides = array<i32>} : memref<8x8448xf32, #tpu.memory_space<vmem>>, vector<1x16xf32>,
      %parallel_loop3A_104 = vector.shape_cast %parallel_loop3A_103 : vector<1x16xf32> to vector<16xf32>
      %parallel_loop3A_105 = vector.shape_cast %parallel_loop3A_99 : vector<16xf32> to vector<1x16xf32>
      tpu.vector_store %arg6[%parallel_loop3A_101, %parallel_loop3A_102], %parallel_loop3A_105 {strides = array<i32>} : memref<8x8448xf32, #tpu.memory_space<vmem>>, vector<1x16xf32>,
      %parallel_loop3A_106 = arith.constant 3 : i32
      %parallel_loop3A_107 = arith.subi %parallel_loop3A_72, %parallel_loop3A_106 : i32
      %parallel_loop3A_108 = arith.index_cast %parallel_loop3A_107 : i32 to index
      %parallel_loop3A_109 = tpu.vector_load %arg5[%parallel_loop3A_108] {strides = array<i32>} : memref<8192xf32, #tpu.memory_space<vmem>>, vector<16xf32>,
      %parallel_loop3A_110 = vector.shape_cast %parallel_loop3A_109 : vector<16xf32> to vector<16xf32>
      %parallel_loop3A_111 = arith.constant 3 : i32
      %parallel_loop3A_112 = arith.index_cast %parallel_loop3A_111 : i32 to index
      %parallel_loop3A_113 = arith.index_cast %parallel_loop3A_69 : i32 to index
      %parallel_loop3A_114 = tpu.vector_load %arg6[%parallel_loop3A_112, %parallel_loop3A_113] {strides = array<i32>} : memref<8x8448xf32, #tpu.memory_space<vmem>>, vector<1x16xf32>,
      %parallel_loop3A_115 = vector.shape_cast %parallel_loop3A_114 : vector<1x16xf32> to vector<16xf32>
      %parallel_loop3A_116 = vector.shape_cast %parallel_loop3A_110 : vector<16xf32> to vector<1x16xf32>
      tpu.vector_store %arg6[%parallel_loop3A_112, %parallel_loop3A_113], %parallel_loop3A_116 {strides = array<i32>} : memref<8x8448xf32, #tpu.memory_space<vmem>>, vector<1x16xf32>,
      %parallel_loop3A_117 = arith.constant 4 : i32
      %parallel_loop3A_118 = arith.subi %parallel_loop3A_72, %parallel_loop3A_117 : i32
      %parallel_loop3A_119 = arith.index_cast %parallel_loop3A_118 : i32 to index
      %parallel_loop3A_120 = tpu.vector_load %arg5[%parallel_loop3A_119] {strides = array<i32>} : memref<8192xf32, #tpu.memory_space<vmem>>, vector<16xf32>,
      %parallel_loop3A_121 = vector.shape_cast %parallel_loop3A_120 : vector<16xf32> to vector<16xf32>
      %parallel_loop3A_122 = arith.constant 4 : i32
      %parallel_loop3A_123 = arith.index_cast %parallel_loop3A_122 : i32 to index
      %parallel_loop3A_124 = arith.index_cast %parallel_loop3A_69 : i32 to index
      %parallel_loop3A_125 = tpu.vector_load %arg6[%parallel_loop3A_123, %parallel_loop3A_124] {strides = array<i32>} : memref<8x8448xf32, #tpu.memory_space<vmem>>, vector<1x16xf32>,
      %parallel_loop3A_126 = vector.shape_cast %parallel_loop3A_125 : vector<1x16xf32> to vector<16xf32>
      %parallel_loop3A_127 = vector.shape_cast %parallel_loop3A_121 : vector<16xf32> to vector<1x16xf32>
      tpu.vector_store %arg6[%parallel_loop3A_123, %parallel_loop3A_124], %parallel_loop3A_127 {strides = array<i32>} : memref<8x8448xf32, #tpu.memory_space<vmem>>, vector<1x16xf32>,
      %parallel_loop3A_128 = arith.constant 5 : i32
      %parallel_loop3A_129 = arith.subi %parallel_loop3A_72, %parallel_loop3A_128 : i32
      %parallel_loop3A_130 = arith.index_cast %parallel_loop3A_129 : i32 to index
      %parallel_loop3A_131 = tpu.vector_load %arg5[%parallel_loop3A_130] {strides = array<i32>} : memref<8192xf32, #tpu.memory_space<vmem>>, vector<16xf32>,
      %parallel_loop3A_132 = vector.shape_cast %parallel_loop3A_131 : vector<16xf32> to vector<16xf32>
      %parallel_loop3A_133 = arith.constant 5 : i32
      %parallel_loop3A_134 = arith.index_cast %parallel_loop3A_133 : i32 to index
      %parallel_loop3A_135 = arith.index_cast %parallel_loop3A_69 : i32 to index
      %parallel_loop3A_136 = tpu.vector_load %arg6[%parallel_loop3A_134, %parallel_loop3A_135] {strides = array<i32>} : memref<8x8448xf32, #tpu.memory_space<vmem>>, vector<1x16xf32>,
      %parallel_loop3A_137 = vector.shape_cast %parallel_loop3A_136 : vector<1x16xf32> to vector<16xf32>
      %parallel_loop3A_138 = vector.shape_cast %parallel_loop3A_132 : vector<16xf32> to vector<1x16xf32>
      tpu.vector_store %arg6[%parallel_loop3A_134, %parallel_loop3A_135], %parallel_loop3A_138 {strides = array<i32>} : memref<8x8448xf32, #tpu.memory_space<vmem>>, vector<1x16xf32>,
      %parallel_loop3A_139 = arith.constant 6 : i32
      %parallel_loop3A_140 = arith.subi %parallel_loop3A_72, %parallel_loop3A_139 : i32
      %parallel_loop3A_141 = arith.index_cast %parallel_loop3A_140 : i32 to index
      %parallel_loop3A_142 = tpu.vector_load %arg5[%parallel_loop3A_141] {strides = array<i32>} : memref<8192xf32, #tpu.memory_space<vmem>>, vector<16xf32>,
      %parallel_loop3A_143 = vector.shape_cast %parallel_loop3A_142 : vector<16xf32> to vector<16xf32>
      %parallel_loop3A_144 = arith.constant 6 : i32
      %parallel_loop3A_145 = arith.index_cast %parallel_loop3A_144 : i32 to index
      %parallel_loop3A_146 = arith.index_cast %parallel_loop3A_69 : i32 to index
      %parallel_loop3A_147 = tpu.vector_load %arg6[%parallel_loop3A_145, %parallel_loop3A_146] {strides = array<i32>} : memref<8x8448xf32, #tpu.memory_space<vmem>>, vector<1x16xf32>,
      %parallel_loop3A_148 = vector.shape_cast %parallel_loop3A_147 : vector<1x16xf32> to vector<16xf32>
      %parallel_loop3A_149 = vector.shape_cast %parallel_loop3A_143 : vector<16xf32> to vector<1x16xf32>
      tpu.vector_store %arg6[%parallel_loop3A_145, %parallel_loop3A_146], %parallel_loop3A_149 {strides = array<i32>} : memref<8x8448xf32, #tpu.memory_space<vmem>>, vector<1x16xf32>,
      %parallel_loop3A_150 = arith.constant 7 : i32
      %parallel_loop3A_151 = arith.subi %parallel_loop3A_72, %parallel_loop3A_150 : i32
      %parallel_loop3A_152 = arith.index_cast %parallel_loop3A_151 : i32 to index
      %parallel_loop3A_153 = tpu.vector_load %arg5[%parallel_loop3A_152] {strides = array<i32>} : memref<8192xf32, #tpu.memory_space<vmem>>, vector<16xf32>,
      %parallel_loop3A_154 = vector.shape_cast %parallel_loop3A_153 : vector<16xf32> to vector<16xf32>
      %parallel_loop3A_155 = arith.constant 7 : i32
      %parallel_loop3A_156 = arith.index_cast %parallel_loop3A_155 : i32 to index
      %parallel_loop3A_157 = arith.index_cast %parallel_loop3A_69 : i32 to index
      %parallel_loop3A_158 = tpu.vector_load %arg6[%parallel_loop3A_156, %parallel_loop3A_157] {strides = array<i32>} : memref<8x8448xf32, #tpu.memory_space<vmem>>, vector<1x16xf32>,
      %parallel_loop3A_159 = vector.shape_cast %parallel_loop3A_158 : vector<1x16xf32> to vector<16xf32>
      %parallel_loop3A_160 = vector.shape_cast %parallel_loop3A_154 : vector<16xf32> to vector<1x16xf32>
      tpu.vector_store %arg6[%parallel_loop3A_156, %parallel_loop3A_157], %parallel_loop3A_160 {strides = array<i32>} : memref<8x8448xf32, #tpu.memory_space<vmem>>, vector<1x16xf32>,
    } {sc.loop_unroll_factor = 1 : i64, sc.parallel_access}
    %scan3A = arith.constant 0 : i32
    %scan3A_55 = arith.constant 15 : i32
    %scan3A_56 = arith.addi %scan3A, %scan3A_55 : i32
    %scan3A_57 = arith.constant 1 : i32
    scf.for %scan3A_64 = %scan3A to %scan3A_56 step %scan3A_57  : i32 {
      %mul3A_65 = arith.constant 1 : i32
      %mul3A_66 = arith.muli %scan3A_64, %mul3A_65 : i32
      %add3A_67 = arith.constant 0 : i32
      %add3A_68 = arith.addi %add3A_67, %mul3A_66 : i32
      %eq3A_69 = arith.constant 0 : i32
      %eq3A_70 = arith.cmpi eq, %select_n3A, %eq3A_69 : i32
      %add3A_71 = arith.constant 1 : i32
      %add3A_72 = arith.addi %add3A_71, %add3A_68 : i32
      %add3A_73 = arith.constant 16 : i32
      %add3A_74 = arith.addi %add3A_73, %add3A_68 : i32
      %select_n3A_75 = arith.select %eq3A_70, %add3A_72, %add3A_74 : i32
      %mul3A_76 = arith.constant 128 : i32
      %mul3A_77 = arith.muli %mul3A_76, %select_n3A_75 : i32
      %sub3A_78 = arith.constant 4096 : i32
      %sub3A_79 = arith.subi %sub3A_78, %mul3A_77 : i32
      %multiple_of3A_80 = tpu.assume_multiple %sub3A_79, 128 : i32
      %mul3A_81 = arith.constant 128 : i32
      %mul3A_82 = arith.muli %mul3A_81, %select_n3A_75 : i32
      %mul3A_83 = arith.constant 8 : i32
      %mul3A_84 = arith.muli %mul3A_83, %rem3A_1 : i32
      %add3A_85 = arith.addi %mul3A_82, %mul3A_84 : i32
      %multiple_of3A_86 = tpu.assume_multiple %add3A_85, 8 : i32
      %dma_start3A_87 = arith.constant 0 : i32
      %dma_start3A_88 = tpu.memref_slice %arg6[%dma_start3A_87, %multiple_of3A_80] : memref<8x8448xf32, #tpu.memory_space<vmem>> -> memref<8x4096xf32, #tpu.memory_space<vmem>>
      %dma_start3A_89 = arith.constant 0 : i32
      %dma_start3A_90 = tpu.memref_slice %arg3[%multiple_of3A_86, %dma_start3A_89] : memref<4096x4096xf32, #tpu.memory_space<hbm>> -> memref<8x4096xf32, #tpu.memory_space<hbm>>
      %dma_start3A_91 = arith.constant 0 : i32
      %dma_start3A_92 = tpu.memref_slice %arg3[%multiple_of3A_86, %dma_start3A_91] : memref<4096x4096xf32, #tpu.memory_space<hbm>> -> memref<8x4096xf32, #tpu.memory_space<hbm>>
      %dma_start3A_93 = arith.constant 0 : i32
      %dma_start3A_94 = tpu.memref_slice %arg6[%dma_start3A_93, %multiple_of3A_80] : memref<8x8448xf32, #tpu.memory_space<vmem>> -> memref<8x4096xf32, #tpu.memory_space<vmem>>
      tpu.enqueue_dma source(%dma_start3A_94 : memref<8x4096xf32, #tpu.memory_space<vmem>>) target(%dma_start3A_92 : memref<8x4096xf32, #tpu.memory_space<hbm>>) target_semaphore(%arg7 : memref<!tpu.dma_semaphore, #tpu.memory_space<semaphore_mem>>)
    }
    %scan3A_58 = arith.constant 15 : i32
    %scan3A_59 = arith.constant 0 : i32
    %scan3A_60 = arith.constant 16 : i32
    %scan3A_61 = arith.addi %scan3A_59, %scan3A_60 : i32
    %scan3A_62 = arith.constant 1 : i32
    scf.for %scan3A_64 = %scan3A_59 to %scan3A_61 step %scan3A_62  : i32 {
      %mul3A_65 = arith.constant 1 : i32
      %mul3A_66 = arith.muli %scan3A_64, %mul3A_65 : i32
      %add3A_67 = arith.constant 0 : i32
      %add3A_68 = arith.addi %add3A_67, %mul3A_66 : i32
      %dma_wait3A = arith.constant 0 : i32
      %dma_wait3A_69 = arith.constant 0 : i32
      %dma_wait3A_70 = tpu.memref_slice %arg6[%dma_wait3A, %dma_wait3A_69] : memref<8x8448xf32, #tpu.memory_space<vmem>> -> memref<8x4096xf32, #tpu.memory_space<vmem>>
      %dma_wait3A_71 = arith.constant 0 : i32
      %dma_wait3A_72 = arith.constant 0 : i32
      %dma_wait3A_73 = tpu.memref_slice %arg3[%dma_wait3A_71, %dma_wait3A_72] : memref<4096x4096xf32, #tpu.memory_space<hbm>> -> memref<8x4096xf32, #tpu.memory_space<hbm>>
      %dma_wait3A_74 = arith.constant 0 : i32
      %dma_wait3A_75 = arith.constant 0 : i32
      %dma_wait3A_76 = tpu.memref_slice %arg3[%dma_wait3A_74, %dma_wait3A_75] : memref<4096x4096xf32, #tpu.memory_space<hbm>> -> memref<8x4096xf32, #tpu.memory_space<hbm>>
      %dma_wait3A_77 = arith.constant 0 : i32
      %dma_wait3A_78 = arith.constant 0 : i32
      %dma_wait3A_79 = tpu.memref_slice %arg6[%dma_wait3A_77, %dma_wait3A_78] : memref<8x8448xf32, #tpu.memory_space<vmem>> -> memref<8x4096xf32, #tpu.memory_space<vmem>>
      tpu.wait_dma2 semaphore(%arg7 : memref<!tpu.dma_semaphore, #tpu.memory_space<semaphore_mem>>) src(%dma_wait3A_79 : memref<8x4096xf32, #tpu.memory_space<vmem>>) dst(%dma_wait3A_76 : memref<8x4096xf32, #tpu.memory_space<hbm>>)
    }
    %scan3A_63 = arith.constant 16 : i32
    return
  }
}

</mosaic_0001>

<sc_bundles>
// kernel: _toeplitz_bias.3.cloned.1.call-start
scs
__scs_entry_jumppad:
0x0: {  	(pc) =	sbr.rel $0x88, $3  }
0x1: {  	(tag) =	ssettag $0x0;
	lr =	simm.s32 $0x1  }
0x2: {  	[smem:$0x3FA0] =	sst lr;
	_ =	strace $0xD0000000  }
0x3: {  	_ = 	snop  }
0x4: {  	_ = 	snop  }
0x5: {  	_ = 	snop  }
0x6: {  	_ = 	snop  }
0x7: {  	_ = 	snop  }
__scs_overlays_trampoline_lowered:
0x8: {  	[smem:$0x3FAF] =	sst s0  }
0x9: {  	[smem:$0x3FB0] =	sst s1  }
0xa: {  	[smem:$0x3FB1] =	sst s2  }
0xb: {  	[smem:$0x3FB2] =	sst s3  }
0xc: {  	[smem:$0x3FB3] =	sst s4  }
0xd: {  	[smem:$0x3FB4] =	sst s5  }
0xe: {  	[smem:$0x3FB5] =	sst s6  }
0xf: {  	[smem:$0x3FB6] =	sst s7  }
0x10: {  	[smem:$0x3FB7] =	sst s8  }
0x11: {  	[smem:$0x3FB8] =	sst s9;
	s0 =	simm.s32 @!p0 $0x0  }
0x12: {  	s1 =	sld [smem:$0x3F9E];
	s0 =	simm.s32 @p0 $0x1  }
0x13: {  	[smem:$0x3FB9] =	sst s0;
	s0 =	simm.s32 @!p1 $0x0  }
0x14: {  	s2 =	sld [smem:$0x3F9D];
	s0 =	simm.s32 @p1 $0x1  }
0x15: {  	[smem:$0x3FBA] =	sst s0;
	s0 =	simm.s32 @!p2 $0x0  }
0x16: {  	s3 =	sld [smem:$0x3FDB];
	s0 =	simm.s32 @p2 $0x1  }
0x17: {  	s4 =	simm.s32 $0x1BF5;
	[smem:$0x3FBC] =	sst s0  }
0x18: {  	s0 =	sld [smem:$0x3F9F];
	_ =	swait.ge [sflag:s4], $0x0  }
0x19: {  	s7 =	sld [smem:$0x3FA0]  }
0x1a: {  	s8 =	sadd.s32 $0xFFFFE003, lr  }
0x1b: {  	s9 =	sadd.s32 $0xFFFFFEF7, lr;
	s5 =	simm.s32 $0xFFFFFFFF;
	p2 =	slt.u32 s8, $0xFFFFF086  }
0x1c: {  	p1 =	slt.u32 s9, $0xF7A;
	s5 =	simm.s32 @!p2 $0x0  }
0x1d: {  	s5 =	simm.s32 @p1 $0x1;
	p0 =	seq.s32 s7, s2  }
0x1e: {  	s7 =	smul.u32 @!p0 $0xF7A, s2;
	p2 =	seq.s32 @!p0 s5, $0x0  }
0x1f: {  	s9 =	smul.u32 $0xF7A, s1;
	s8 =	simm.s32 @!p0 $0x1BF5;
	p2 =	por !p2, p0  }
0x20: {  	[sflag:s8] =	ssyncset.s32 @!p0 $0xFFFFF086;
	s6 =	sadd.s32 @!p0 s3, s7;
	s7 =	simm.s32 @!p0 $0x108  }
0x21: {  	s3 =	sadd.s32 s3, s9;
	s6 =	sadd.s32 @!p0 $0x88, s6;
	s7 =	simm.s32 @p2 $0x1082  }
0x22: {  	[simem:s7], [sflag:s8] =	dma.local @!p0 [hbm:s6], $0xF7A  }
0x23: {  	s9 =	sor.u32 $0xD0000000, s2;
	s6 =	simm.s32 $0x108;
	_ =	swait.ge @!p0 [sflag:s8], $0x0  }
0x24: {  	s3 =	sadd.s32 $0x88, s3;
	s6 =	simm.s32 @!p1 $0x1082;
	[sflag:s4] =	ssyncset.s32 $0xFFFFF086  }
0x25: {  	[simem:s6], [sflag:s4] =	dma.local [hbm:s3], $0xF7A  }
0x26: {  	[smem:$0x3FA0] =	sst s1;
	(tag) =	ssettag s2;
	_ =	strace s9  }
0x27: {  	s1 =	sld [smem:$0x3FB0]  }
0x28: {  	s2 =	sld [smem:$0x3FB1]  }
0x29: {  	s4 =	sld [smem:$0x3FB3]  }
0x2a: {  	p0 =	seq.s32 s5, $0x0;
	s5 =	sld [smem:$0x3FB4]  }
0x2b: {  	s6 =	sld [smem:$0x3FB5]  }
0x2c: {  	s7 =	sld [smem:$0x3FB6]  }
0x2d: {  	s3 =	simm.s32 $0x108;
	s8 =	sld [smem:$0x3FB7]  }
0x2e: {  	s3 =	simm.s32 @!p0 $0x1082;
	s9 =	sld [smem:$0x3FB8]  }
0x2f: {  	lr =	sadd.s32 s0, s3;
	s0 =	sld [smem:$0x3FAF]  }
0x30: {  	s3 =	sld [smem:$0x3FB2]  }
0x31: {  	[smem:$0x3FBB] =	sst s10  }
0x32: {  	s10 =	sld [smem:$0x3FB9];
	_ =	sdelay $0x3  }
0x33: {  	p0 =	seq.s32 s10, $0x1;
	s10 =	sld [smem:$0x3FBB];
	_ =	sdelay $0x3  }
0x34: {  	[smem:$0x3FBB] =	sst s10  }
0x35: {  	s10 =	sld [smem:$0x3FBA];
	_ =	sdelay $0x3  }
0x36: {  	p1 =	seq.s32 s10, $0x1;
	s10 =	sld [smem:$0x3FBB];
	_ =	sdelay $0x3  }
0x37: {  	[smem:$0x3FBB] =	sst s10  }
0x38: {  	s10 =	sld [smem:$0x3FBC]  }
0x39: {  	_ = 	snop;
	(pc) =	sbr.ind lr, $3  }
0x3a: {  	_ = 	snop  }
0x3b: {  	_ = 	snop  }
0x3c: {  	p2 =	seq.s32 s10, $0x1;
	s10 =	sld [smem:$0x3FBB]  }
0x3d: {  	_ =	shalt  }
0x3e: {  	_ =	shalt  }
0x3f: {  	_ =	shalt  }
0x40: {  	_ =	shalt  }
0x41: {  	_ =	shalt  }
0x42: {  	_ =	shalt  }
0x43: {  	_ =	shalt  }
0x44: {  	_ =	shalt  }
0x45: {  	_ =	shalt  }
0x46: {  	_ =	shalt  }
0x47: {  	_ =	shalt  }
0x48: {  	_ =	shalt  }
0x49: {  	_ =	shalt  }
0x4a: {  	_ =	shalt  }
0x4b: {  	_ =	shalt  }
0x4c: {  	_ =	shalt  }
0x4d: {  	_ =	shalt  }
0x4e: {  	_ =	shalt  }
0x4f: {  	_ =	shalt  }
0x50: {  	_ =	shalt  }
0x51: {  	_ =	shalt  }
0x52: {  	_ =	shalt  }
0x53: {  	_ =	shalt  }
0x54: {  	_ =	shalt  }
0x55: {  	_ =	shalt  }
0x56: {  	_ =	shalt  }
0x57: {  	_ =	shalt  }
0x58: {  	_ =	shalt  }
0x59: {  	_ =	shalt  }
0x5a: {  	_ =	shalt  }
0x5b: {  	_ =	shalt  }
0x5c: {  	_ =	shalt  }
0x5d: {  	_ =	shalt  }
0x5e: {  	_ =	shalt  }
0x5f: {  	_ =	shalt  }
0x60: {  	_ =	shalt  }
0x61: {  	_ =	shalt  }
0x62: {  	_ =	shalt  }
0x63: {  	_ =	shalt  }
0x64: {  	_ =	shalt  }
0x65: {  	_ =	shalt  }
0x66: {  	_ =	shalt  }
0x67: {  	_ =	shalt  }
0x68: {  	_ =	shalt  }
0x69: {  	_ =	shalt  }
0x6a: {  	_ =	shalt  }
0x6b: {  	_ =	shalt  }
0x6c: {  	_ =	shalt  }
0x6d: {  	_ =	shalt  }
0x6e: {  	_ =	shalt  }
0x6f: {  	_ =	shalt  }
0x70: {  	_ =	shalt  }
0x71: {  	_ =	shalt  }
0x72: {  	_ =	shalt  }
0x73: {  	_ =	shalt  }
0x74: {  	_ =	shalt  }
0x75: {  	_ =	shalt  }
0x76: {  	_ =	shalt  }
0x77: {  	_ =	shalt  }
0x78: {  	_ =	shalt  }
0x79: {  	_ =	shalt  }
0x7a: {  	_ =	shalt  }
0x7b: {  	_ =	shalt  }
0x7c: {  	_ =	shalt  }
0x7d: {  	_ =	shalt  }
0x7e: {  	_ =	shalt  }
0x7f: {  	_ =	shalt  }
0x80: {  	_ =	shalt  }
0x81: {  	_ =	shalt  }
0x82: {  	_ =	shalt  }
0x83: {  	_ =	shalt  }
0x84: {  	_ =	shalt  }
0x85: {  	_ =	shalt  }
0x86: {  	_ =	shalt  }
0x87: {  	_ =	shalt  }
.Lfunc_end0:
.L_simem_size_0:
called_computation_lowered:
.L_overlay_start_0:
0x88: {  	s2 =	sld [smem:$0x3FD9]  }
0x89: {  	s3 =	sld [smem:$0x3FFE];
	_ =	sdelay $0x1  }
0x8a: {  	s1 =	srdreg.scid  }
0x8b: {  	s0 =	sand.u32 $0x1, s1  }
0x8c: {  	s18 =	sshll.u32 s0, $0xA;
	s2 =	sadd.s32 s3, s2  }
0x8d: {  	s2 =	sadd.s32 s2, s18  }
0x8e: {  	[smem:$0x3FC7] =	sst s2  }
0x8f: {  	_ = 	snop  }
0x90: {  	s2 =	sld [smem:$0x3FC9]  }
0x91: {  	s19 =	sld [smem:$0x3FD0];
	(tm) =	ssettm $0x1  }
0x92: {  	s4 =	sld [smem:$0x3FFB];
	_ =	sdelay $0x3  }
0x93: {  	_ =	strace s4  }
0x94: {  	s4 =	sld [smem:$0x3FFC];
	_ =	sdelay $0x3  }
0x95: {  	_ =	strace s4  }
0x96: {  	s4 =	sld [smem:$0x3FFD];
	_ =	sdelay $0x3  }
0x97: {  	_ =	strace s4  }
0x98: {  	_ =	strace $0x8FFFFFFF  }
0x99: {  	s20 =	sld [smem:$0x3FDB];
	_ =	sdelay $0x1  }
0x9a: {  	s5 =	simm.s32 $_scs_section_size  }
0x9b: {  	s6 =	simm.s32 $_size__tile_overlayer_lowered;
	s7 =	simm.s32 $_tile_overlayer_lowered  }
0x9c: {  	s23 =	simm.s32 $0x1BFF;
	s22 =	sshll.u32 s7, $0x1;
	s4 =	sadd.s32 s5, s20  }
0x9d: {  	s8 =	simm.s32 $0x0;
	s21 =	sshll.u32 s6, $0x1;
	s6 =	sadd.s32 s22, s4  }
0x9e: {  	[timem:s8], [sflag:s23] =	dma.local [hbm:s6], s21  }
0x9f: {  	_ =	swait.ge [sflag:s23], s21  }
0xa0: {  	s5 =	ssub.s32 $0x0, s21;
	[sflag:s23] =	ssyncset.done $0x0  }
0xa1: {  	[sflag:s23] =	ssyncadd.s32 s5;
	_ =	sdelay $0x1  }
0xa2: {  	s24 =	simm.s32 $0x1B8B  }
0xa3: {  	_ =	swait.ge [sflag:s24], $0x1  }
0xa4: {  	[sflag:s24] =	ssyncset.done $0x0  }
0xa5: {  	s25 =	simm.s32 $0x1B8E;
	[sflag:s24] =	ssyncadd.s32 $0xFFFFFFFF  }
0xa6: {  	s26 =	simm.s32 $execute0_lowered;
	[smem:$0x3FD2] =	sst s25  }
0xa7: {  	s5 =	sshll.u32 s26, $0x1;
	_ =	strace $0x80000046;
	[dreg:$0x1] =	wrdreg $0xFFFFFFFF  }
0xa8: {  	s28 =	simm.s32 $_size_execute0_lowered;
	s4 =	sadd.s32 s4, s5;
	[dreg:$0x0] =	wrdreg $0x0  }
0xa9: {  	s5 =	sshll.u32 s28, $0x1;
	[dreg:$0x2] =	wrdreg s4  }
0xaa: {  	[dreg:$0x3] =	wrdreg s5  }
0xab: {  	[dreg:$0x4] =	wrdreg $0xC0  }
0xac: {  	_ =	task [dreg:s8], $0x5FFFF  }
0xad: {  	[dreg:$0x1] =	wrdreg $0xFFFFFFFF  }
0xae: {  	[dreg:$0x0] =	wrdreg $0x60  }
0xaf: {  	[dreg:$0x2] =	wrdreg s2  }
0xb0: {  	[dreg:$0x3] =	wrdreg s19  }
0xb1: {  	[dreg:$0x4] =	wrdreg $0x9  }
0xb2: {  	_ =	task.clear_ibuf [dreg:s8], $0x5FFFF;
	_ =	strace $0x90000046  }
0xb3: {  	s29 =	simm.s32 $0x9;
	_ =	strace $0x80000048  }
0xb4: {  	_ =	swait.ge [sflag:s29], $0x1  }
0xb5: {  	[sflag:s29] =	ssyncadd.s32 $0xFFFFFFFF  }
0xb6: {  	_ =	strace $0x90000048  }
0xb7: {  	_ =	sfence  }
0xb8: {  	s30 =	sld [smem:$0x0];
	_ =	sdelay $0x2  }
0xb9: {  	s31 =	sshll.u32 s1, $0xD;
	s1 =	sshrl.u32 s1, $0x2  }
0xba: {  	s3 =	sand.u32 $0x4000, s31;
	s1 =	sadd.s32 s1, s30  }
0xbb: {  	s0 =	sor.u32 s3, s0;
	s1 =	sshll.u32 s1, $0x11  }
0xbc: {  	s0 =	sor.u32 s1, s0  }
0xbd: {  	s0 =	sadd.s32 $0x8F2B, s0  }
0xbe: {  	[sflag:s0] =	ssyncadd.remote.s32 $0x1  }
0xbf: {  	_ =	sfence.sel $0xFFFF  }
0xc0: {  	[dreg:$0x0] =	wrdreg $0xFFFFFFFF;
	(pc) =	sbr.abs _section_cstart, $3  }
0xc1: {  	[dreg:$0x1] =	wrdreg $0xFFFFFFFF  }
0xc2: {  	_ =	task.clear_ibuf [dreg:s8], $0x2FFFF;
	_ =	strace $0x9FFFFFFF  }
0xc3: {  	(tm) =	ssettm $0x7FFFFFFF  }
tec
execute0_lowered:
.L_overlay_start_1:
0x0: {  	(tag) =	ssettag $0x1  }
0x1: {  	s0 =	rddreg [dreg:$0x1]  }
0x2: {  	s3 =	simm.s32 $0x0;
	s2 =	srdreg.scid;
	s1 =	stileid.u32  }
0x3: {  	s9 =	simm.s32 $0x1000;
	s10 =	simm.s32 $0x880;
	s12 =	simm.s32 $0x2  }
0x4: {  	s13 =	simm.s32 $0x1;
	s14 =	simm.s32 $0x0;
	[smem:$0x7FF] =	sst s3  }
0x5: {  	s2 =	sand.u32 $0x1, s2;
	s5 =	sshll.u32 s1, $0x1;
	s7 =	sshrl.u32 s1, $0x3  }
0x6: {  	s30 =	sand.u32 $0x7, s1;
	_ =	strace $0x80000047;
	s4 =	ssub.s32 $0x2, s2  }
0x7: {  	s5 =	sand.u32 $0xE, s5;
	s24 =	smul.u32 $0xFFFE1000, s7;
	p0 =	seq.s32 s7, $0x0  }
0x8: {  	s25 =	smul.u32 $0x1F0000, s7;
	s6 =	sshrl.u32 s4, $0x1;
	s23 =	sor.u32 s2, s5  }
0x9: {  	s9 =	simm.s32 @!p0 $0x80;
	s10 =	simm.s32 @!p0 $0x1080;
	s2 =	sshll.u32 s2, $0x3  }
0xa: {  	s8 =	ssub.s32 s4, s6;
	s5 =	sshra.s32 s24, $0x2;
	s26 =	sshll.u32 s23, $0xC  }
0xb: {  	s11 =	ssub.s32 s9, s2;
	s6 =	sshll.u32 s30, $0x4;
	s2 =	ssub.s32 s10, s2  }
0xc: {  	s10 =	sshll.u32 s10, $0x3;
	s28 =	sadd.s32 $0xC000, s5;
	s29 =	sor.u32 s25, s26  }
0xd: {  	s11 =	ssub.s32 s11, s6;
	s2 =	ssub.s32 s2, s6;
	s6 =	sadd.s32 s0, s26  }
0xe: {  	v0 =	vlaneseq.u32;
	s7 =	smax.u32 s8, $0x1;
	s31 =	sshll.u32 s11, $0x2;
	s2 =	sshll.u32 s2, $0x2  }
0xf: {  	v0 =	vmul.u32 $0xFFFFFFFF, v0;
	s5 =	sadd.s32 s0, s29;
	s0 =	sadd.s32 $0xFFFFFFF4, s31;
	s2 =	sadd.s32 $0xFFFFFFF4, s2  }
0x10: {  	s8 =	sshll.u32 s9, $0x3;
	s0 =	sshra.s32 s0, $0x2;
	s2 =	sshra.s32 s2, $0x2  }
0x11: {  	v0 =	vadd.s32 $0xF, v0;
	[dreg:$0x3] =	wrdreg s28;
	s9 =	sadd.s32 $0x2000, s0;
	s11 =	sadd.s32 $0x2000, s2  }
.LBB2_1:
0x12: {  	s0 =	rddreg [dreg:$0x0]  }
0x13: {  	[tilespmem:s3], [sflag:$0x2] =	stream.linear.gather [hbm4b:s0+s3], $0x2000, $0x38;
	[tilespmem:$0x14800] =	vst v63  }
0x14: {  	_ =	swait.ge [sflag:s12], $0x2000  }
0x15: {  	[sflag:s12] =	ssyncset.done $0x0  }
0x16: {  	s31 =	simm.s32 $0x10;
	[sflag:s12] =	ssyncadd.s32 $0xFFFFE000  }
0x17: {  	v1 =	vld [tilespmem:s31+$0xFFFFFFF0];
	_ =	sdelay $0x1  }
0x18: {  	v2 =	vld [tilespmem:s31+$0x0];
	_ =	sdelay $0x2  }
0x19: {  	v1 =	vmax.f32 v1, $-5.000000000e+00  }
0x1a: {  	s15 =	simm.s32 $0x30;
	v1 =	vmin.f32 v1, $5.000000000e+00  }
0x1b: {  	v2 =	vmax.f32 v2, $-5.000000000e+00;
	v4 =	vperm.xlane v1, v0;
	v1 =	vld [tilespmem:s15+$0xFFFFFFF0]  }
0x1c: {  	s0 =	simm.s32 $0x3FF0;
	v3 =	vmin.f32 v2, $5.000000000e+00;
	v2 =	vld [tilespmem:s15+$0x0]  }
0x1d: {  	s16 =	simm.s32 $0x2;
	v3 =	vperm.xlane v3, v0;
	[tilespmem:s0+$0x0] =	vst v4  }
.LBB2_2:
0x1e: {  	s16 =	sadd.s32 $0x2, s16  }
0x1f: {  	[tilespmem:s0+$0xFFFFFFF0] =	vst v3;
	s0 =	sadd.s32 $0xFFFFFFE0, s0;
	p1 =	slt.u32 s16, $0x1FE  }
.Ltmp0:
0x20: {  	s15 =	sadd.s32 $0x20, s15;
	v3 =	vmax.f32 v1, $-5.000000000e+00;
	(pc) =	sbr.rel @p1 .LBB2_2-.Ltmp0, $4  }
0x21: {  	v1 =	vld [tilespmem:s15+$0xFFFFFFF0];
	v3 =	vmin.f32 v3, $5.000000000e+00;
	v4 =	vmax.f32 v2, $-5.000000000e+00  }
0x22: {  	v2 =	vld [tilespmem:s15+$0x0];
	v5 =	vperm.xlane v3, v0;
	v3 =	vmin.f32 v4, $5.000000000e+00  }
0x23: {  	v3 =	vperm.xlane v3, v0  }
0x24: {  	[tilespmem:s0+$0x0] =	vst v5  }
0x25: {  	_ = 	snop  }
0x26: {  	v1 =	vmax.f32 v1, $-5.000000000e+00  }
0x27: {  	v1 =	vmin.f32 v1, $5.000000000e+00;
	v2 =	vmax.f32 v2, $-5.000000000e+00  }
0x28: {  	v1 =	vperm.xlane v1, v0;
	v2 =	vmin.f32 v2, $5.000000000e+00  }
0x29: {  	[tilespmem:s0+$0xFFFFFFF0] =	vst v3;
	s20 =	sadd.s32 $0xFFFFFFE0, s0;
	v2 =	vperm.xlane v2, v0  }
0x2a: {  	[tilespmem:s20+$0x0] =	vst v1  }
0x2b: {  	[tilespmem:s20+$0xFFFFFFF0] =	vst v2  }
0x2c: {  	v1 =	vld [tilespmem:s9+$0x3];
	_ =	sdelay $0x1  }
0x2d: {  	s16 =	simm.s32 $0x0  }
0x2e: {  	s2 =	sand.u32 $0x1FC00, s8;
	s21 =	sand.u32 $0x70, s16  }
0x2f: {  	s28 =	sor.u32 s21, s2  }
0x30: {  	[tilespmem:s28+$0x4000] =	vst v1  }
0x31: {  	v1 =	vld [tilespmem:s9+$0x2];
	_ =	sdelay $0x1  }
0x32: {  	s18 =	sadd.s32 $0x10, s9  }
0x33: {  	v2 =	vld [tilespmem:s18+$0x3];
	_ =	sdelay $0x1  }
0x34: {  	s22 =	simm.s32 $0x10;
	s15 =	sadd.s32 $0x80, s8;
	[tilespmem:s28+$0x4080] =	vst v1  }
0x35: {  	s0 =	sand.u32 $0x70, s22;
	s23 =	sand.u32 $0x1FC00, s15;
	v1 =	vld [tilespmem:s9+$0x1]  }
0x36: {  	s21 =	sor.u32 s0, s23  }
0x37: {  	[tilespmem:s21+$0x4000] =	vst v2  }
0x38: {  	v2 =	vld [tilespmem:s18+$0x2]  }
0x39: {  	s20 =	sadd.s32 $0x10, s18  }
0x3a: {  	v3 =	vld [tilespmem:s20+$0x3];
	[tilespmem:s28+$0x4100] =	vst v1  }
0x3b: {  	v1 =	vld [tilespmem:s9+$0x0]  }
0x3c: {  	s24 =	simm.s32 $0x20;
	s19 =	sadd.s32 $0x80, s15  }
0x3d: {  	s0 =	sand.u32 $0x70, s24;
	s25 =	sand.u32 $0x1FC00, s19;
	[tilespmem:s21+$0x4080] =	vst v2  }
0x3e: {  	s23 =	sor.u32 s0, s25;
	v2 =	vld [tilespmem:s18+$0x1]  }
0x3f: {  	[tilespmem:s23+$0x4000] =	vst v3  }
0x40: {  	v3 =	vld [tilespmem:s20+$0x2];
	[tilespmem:s28+$0x4180] =	vst v1  }
0x41: {  	v1 =	vld [tilespmem:s9+$0xFFFFFFFF]  }
0x42: {  	s22 =	sadd.s32 $0x10, s20  }
0x43: {  	v4 =	vld [tilespmem:s22+$0x3];
	[tilespmem:s21+$0x4100] =	vst v2  }
0x44: {  	v2 =	vld [tilespmem:s18+$0x0]  }
0x45: {  	s26 =	simm.s32 $0x30;
	s17 =	sadd.s32 $0x80, s19;
	[tilespmem:s23+$0x4080] =	vst v3  }
0x46: {  	s0 =	sand.u32 $0x70, s26;
	s1 =	sand.u32 $0x1FC00, s17;
	[tilespmem:s28+$0x4200] =	vst v1;
	v1 =	vld [tilespmem:s20+$0x1]  }
0x47: {  	s26 =	sor.u32 s0, s1;
	v3 =	vld [tilespmem:s9+$0xFFFFFFFE]  }
0x48: {  	[tilespmem:s26+$0x4000] =	vst v4  }
0x49: {  	v4 =	vld [tilespmem:s22+$0x2];
	[tilespmem:s21+$0x4180] =	vst v2  }
0x4a: {  	s25 =	sadd.s32 $0x10, s22;
	v2 =	vld [tilespmem:s18+$0xFFFFFFFF]  }
0x4b: {  	v5 =	vld [tilespmem:s25+$0x3];
	[tilespmem:s23+$0x4100] =	vst v1  }
0x4c: {  	v1 =	vld [tilespmem:s20+$0x0];
	[tilespmem:s28+$0x4280] =	vst v3  }
0x4d: {  	s4 =	simm.s32 $0x40;
	s24 =	sadd.s32 $0x80, s17;
	v3 =	vld [tilespmem:s9+$0xFFFFFFFD]  }
0x4e: {  	s0 =	sand.u32 $0x70, s4;
	s1 =	sand.u32 $0x1FC00, s24;
	[tilespmem:s26+$0x4080] =	vst v4  }
0x4f: {  	s30 =	sor.u32 s0, s1;
	v4 =	vld [tilespmem:s22+$0x1];
	[tilespmem:s21+$0x4200] =	vst v2  }
0x50: {  	[tilespmem:s30+$0x4000] =	vst v5;
	v6 =	vld [tilespmem:s18+$0xFFFFFFFE]  }
0x51: {  	v7 =	vld [tilespmem:s25+$0x2];
	[tilespmem:s23+$0x4180] =	vst v1  }
0x52: {  	v2 =	vld [tilespmem:s20+$0xFFFFFFFF];
	[tilespmem:s28+$0x4300] =	vst v3  }
0x53: {  	s29 =	sadd.s32 $0x10, s25;
	v1 =	vld [tilespmem:s9+$0xFFFFFFFC]  }
0x54: {  	s2 =	sand.u32 $0x7, s16;
	v5 =	vld [tilespmem:s29+$0x3];
	[tilespmem:s26+$0x4100] =	vst v4  }
0x55: {  	s31 =	simm.s32 $0x60;
	s4 =	simm.s32 $0x50;
	s0 =	sshll.u32 s2, $0x4;
	v4 =	vld [tilespmem:s22+$0x0];
	[tilespmem:s21+$0x4280] =	vst v6  }
0x56: {  	s2 =	sand.u32 $0x70, s4;
	s0 =	sadd.s32 s0, s8;
	[tilespmem:s30+$0x4080] =	vst v7;
	s28 =	sadd.s32 $0x80, s24;
	v3 =	vld [tilespmem:s18+$0xFFFFFFFD]  }
.LBB2_4:
0x57: {  	p1 =	sne.s32 s31, $0xFF0;
	s1 =	sand.u32 $0x1FC00, s28;
	[tilespmem:s23+$0x4200] =	vst v2;
	s0 =	sor.u32 $0x380, s0  }
0x58: {  	s1 =	sor.u32 s2, s1;
	v6 =	vld [tilespmem:s25+$0x1];
	[tilespmem:s0+$0x4000] =	vst v1;
	s0 =	smov.u32 s22;
	s22 =	smov.u32 s25  }
0x59: {  	s4 =	smov.u32 s15;
	s15 =	smov.u32 s19;
	s25 =	smov.u32 s29;
	[tilespmem:s1+$0x4000] =	vst v5;
	v7 =	vld [tilespmem:s20+$0xFFFFFFFE]  }
0x5a: {  	s19 =	smov.u32 s17;
	s17 =	smov.u32 s24;
	s24 =	smov.u32 s28;
	v8 =	vld [tilespmem:s29+$0x2];
	[tilespmem:s26+$0x4180] =	vst v4  }
.Ltmp1:
0x5b: {  	v2 =	vld [tilespmem:s0+$0xFFFFFFFF];
	[tilespmem:s21+$0x4300] =	vst v3;
	s21 =	smov.u32 s23;
	s23 =	smov.u32 s26;
	(pc) =	sbr.rel @p1 .LBB2_4-.Ltmp1, $4  }
0x5c: {  	s16 =	sadd.s32 $0x1, s16;
	s29 =	sadd.s32 $0x10, s29;
	s26 =	smov.u32 s30;
	v1 =	vld [tilespmem:s18+$0xFFFFFFFC]  }
0x5d: {  	s2 =	sand.u32 $0x7, s16;
	s30 =	smov.u32 s1;
	s18 =	smov.u32 s20;
	v5 =	vld [tilespmem:s29+$0x3];
	[tilespmem:s26+$0x4100] =	vst v6  }
0x5e: {  	s28 =	sadd.s32 $0x80, s28;
	s1 =	sshll.u32 s2, $0x4;
	s20 =	smov.u32 s0;
	v4 =	vld [tilespmem:s22+$0x0];
	[tilespmem:s21+$0x4280] =	vst v7  }
0x5f: {  	s2 =	sand.u32 $0x70, s31;
	s31 =	sadd.s32 $0x10, s31;
	s0 =	sadd.s32 s1, s4;
	[tilespmem:s30+$0x4080] =	vst v8;
	v3 =	vld [tilespmem:s18+$0xFFFFFFFD]  }
0x60: {  	s1 =	sand.u32 $0x1FC00, s28  }
0x61: {  	s1 =	sor.u32 s2, s1  }
0x62: {  	[tilespmem:s1+$0x4000] =	vst v5  }
0x63: {  	v5 =	vld [tilespmem:s29+$0x2];
	_ =	sdelay $0x4  }
0x64: {  	v6 =	vld [tilespmem:s25+$0x1];
	[tilespmem:s1+$0x4080] =	vst v5  }
0x65: {  	v5 =	vld [tilespmem:s29+$0x1];
	_ =	sdelay $0x3  }
0x66: {  	[tilespmem:s30+$0x4100] =	vst v6  }
0x67: {  	v6 =	vld [tilespmem:s25+$0x0];
	[tilespmem:s1+$0x4100] =	vst v5  }
0x68: {  	v5 =	vld [tilespmem:s29+$0x0];
	_ =	sdelay $0x2  }
0x69: {  	[tilespmem:s26+$0x4180] =	vst v4  }
0x6a: {  	v4 =	vld [tilespmem:s22+$0xFFFFFFFF];
	[tilespmem:s30+$0x4180] =	vst v6  }
0x6b: {  	v6 =	vld [tilespmem:s25+$0xFFFFFFFF];
	[tilespmem:s1+$0x4180] =	vst v5  }
0x6c: {  	v5 =	vld [tilespmem:s29+$0xFFFFFFFF];
	_ =	sdelay $0x1  }
0x6d: {  	[tilespmem:s23+$0x4200] =	vst v2  }
0x6e: {  	v2 =	vld [tilespmem:s20+$0xFFFFFFFE];
	[tilespmem:s26+$0x4200] =	vst v4  }
0x6f: {  	v4 =	vld [tilespmem:s22+$0xFFFFFFFE];
	[tilespmem:s30+$0x4200] =	vst v6  }
0x70: {  	v6 =	vld [tilespmem:s25+$0xFFFFFFFE];
	[tilespmem:s1+$0x4200] =	vst v5  }
0x71: {  	v5 =	vld [tilespmem:s29+$0xFFFFFFFE];
	_ =	sdelay $0x1  }
0x72: {  	[tilespmem:s23+$0x4280] =	vst v2  }
0x73: {  	v2 =	vld [tilespmem:s20+$0xFFFFFFFD];
	[tilespmem:s26+$0x4280] =	vst v4  }
0x74: {  	v4 =	vld [tilespmem:s22+$0xFFFFFFFD];
	[tilespmem:s30+$0x4280] =	vst v6  }
0x75: {  	v6 =	vld [tilespmem:s25+$0xFFFFFFFD];
	[tilespmem:s1+$0x4280] =	vst v5  }
0x76: {  	s16 =	sadd.s32 $0x1, s16;
	v5 =	vld [tilespmem:s29+$0xFFFFFFFD]  }
0x77: {  	s4 =	sand.u32 $0x7, s16;
	s2 =	sadd.s32 $0x1, s16;
	[tilespmem:s21+$0x4300] =	vst v3  }
0x78: {  	s4 =	sshll.u32 s4, $0x4;
	v3 =	vld [tilespmem:s18+$0xFFFFFFFC];
	s18 =	sand.u32 $0x7, s2;
	[tilespmem:s23+$0x4300] =	vst v2  }
0x79: {  	s0 =	sor.u32 $0x380, s0;
	s4 =	sadd.s32 s4, s15;
	s21 =	sshll.u32 s18, $0x4;
	v2 =	vld [tilespmem:s20+$0xFFFFFFFC];
	[tilespmem:s26+$0x4300] =	vst v4  }
0x7a: {  	s4 =	sor.u32 $0x380, s4;
	s2 =	sadd.s32 $0x1, s2;
	s15 =	sadd.s32 s21, s19;
	v4 =	vld [tilespmem:s22+$0xFFFFFFFC];
	[tilespmem:s30+$0x4300] =	vst v6  }
0x7b: {  	s15 =	sor.u32 $0x380, s15;
	s23 =	sand.u32 $0x7, s2;
	s2 =	sadd.s32 $0x1, s2;
	v6 =	vld [tilespmem:s25+$0xFFFFFFFC];
	[tilespmem:s1+$0x4300] =	vst v5  }
0x7c: {  	[tilespmem:s0+$0x4000] =	vst v1;
	s26 =	sand.u32 $0x7, s2;
	s2 =	sadd.s32 $0x1, s2;
	s25 =	sshll.u32 s23, $0x4;
	v1 =	vld [tilespmem:s29+$0xFFFFFFFC]  }
0x7d: {  	[tilespmem:s4+$0x4000] =	vst v3;
	s2 =	sand.u32 $0x7, s2;
	s0 =	sadd.s32 s25, s17;
	s1 =	sshll.u32 s26, $0x4  }
0x7e: {  	[tilespmem:s15+$0x4000] =	vst v2;
	s2 =	sshll.u32 s2, $0x4;
	s0 =	sor.u32 $0x380, s0;
	s1 =	sadd.s32 s1, s24  }
0x7f: {  	s16 =	sadd.s32 s2, s28;
	[tilespmem:s0+$0x4000] =	vst v4;
	s15 =	sor.u32 $0x380, s1  }
0x80: {  	s17 =	sor.u32 $0x380, s16;
	[tilespmem:s15+$0x4000] =	vst v6  }
0x81: {  	[tilespmem:s17+$0x4000] =	vst v1  }
0x82: {  	s15 =	simm.s32 $0x0;
	s0 =	rddreg [dreg:$0x3]  }
0x83: {  	[hbm4b:s5+s15] =	stream.linear.scatter [tilespmem:s0], [sflag:$0x1], $0x8000, $0x38;
	[tilespmem:$0x14800] =	vst v63  }
0x84: {  	v1 =	vld [tilespmem:s11+$0x3];
	_ =	sdelay $0x2  }
0x85: {  	s19 =	sand.u32 $0x1FC00, s10;
	s18 =	sand.u32 $0x70, s15  }
0x86: {  	s26 =	sor.u32 s18, s19  }
0x87: {  	[tilespmem:s26+$0x4000] =	vst v1  }
0x88: {  	v1 =	vld [tilespmem:s11+$0x2];
	_ =	sdelay $0x1  }
0x89: {  	s17 =	sadd.s32 $0x10, s11  }
0x8a: {  	v2 =	vld [tilespmem:s17+$0x3];
	_ =	sdelay $0x1  }
0x8b: {  	s20 =	simm.s32 $0x10;
	s16 =	sadd.s32 $0x80, s10;
	[tilespmem:s26+$0x4080] =	vst v1  }
0x8c: {  	s21 =	sand.u32 $0x1FC00, s16;
	s0 =	sand.u32 $0x70, s20;
	v1 =	vld [tilespmem:s11+$0x1]  }
0x8d: {  	s21 =	sor.u32 s0, s21  }
0x8e: {  	[tilespmem:s21+$0x4000] =	vst v2  }
0x8f: {  	v2 =	vld [tilespmem:s17+$0x2]  }
0x90: {  	s18 =	sadd.s32 $0x10, s17  }
0x91: {  	v3 =	vld [tilespmem:s18+$0x3];
	[tilespmem:s26+$0x4100] =	vst v1  }
0x92: {  	v1 =	vld [tilespmem:s11+$0x0]  }
0x93: {  	s22 =	simm.s32 $0x20;
	s19 =	sadd.s32 $0x80, s16  }
0x94: {  	s23 =	sand.u32 $0x1FC00, s19;
	s0 =	sand.u32 $0x70, s22;
	[tilespmem:s21+$0x4080] =	vst v2  }
0x95: {  	s23 =	sor.u32 s0, s23;
	v2 =	vld [tilespmem:s17+$0x1]  }
0x96: {  	[tilespmem:s23+$0x4000] =	vst v3  }
0x97: {  	v3 =	vld [tilespmem:s18+$0x2];
	[tilespmem:s26+$0x4180] =	vst v1  }
0x98: {  	v1 =	vld [tilespmem:s11+$0xFFFFFFFF]  }
0x99: {  	s22 =	sadd.s32 $0x10, s18  }
0x9a: {  	v4 =	vld [tilespmem:s22+$0x3];
	[tilespmem:s21+$0x4100] =	vst v2  }
0x9b: {  	v2 =	vld [tilespmem:s17+$0x0]  }
0x9c: {  	s24 =	simm.s32 $0x30;
	s20 =	sadd.s32 $0x80, s19;
	[tilespmem:s23+$0x4080] =	vst v3  }
0x9d: {  	s25 =	sand.u32 $0x1FC00, s20;
	s0 =	sand.u32 $0x70, s24;
	[tilespmem:s26+$0x4200] =	vst v1;
	v1 =	vld [tilespmem:s18+$0x1]  }
0x9e: {  	s28 =	sor.u32 s0, s25;
	v3 =	vld [tilespmem:s11+$0xFFFFFFFE]  }
0x9f: {  	[tilespmem:s28+$0x4000] =	vst v4  }
0xa0: {  	v4 =	vld [tilespmem:s22+$0x2];
	[tilespmem:s21+$0x4180] =	vst v2  }
0xa1: {  	s25 =	sadd.s32 $0x10, s22;
	v2 =	vld [tilespmem:s17+$0xFFFFFFFF]  }
0xa2: {  	v5 =	vld [tilespmem:s25+$0x3];
	[tilespmem:s23+$0x4100] =	vst v1  }
0xa3: {  	v1 =	vld [tilespmem:s18+$0x0];
	[tilespmem:s26+$0x4280] =	vst v3  }
0xa4: {  	s2 =	simm.s32 $0x40;
	s24 =	sadd.s32 $0x80, s20;
	v3 =	vld [tilespmem:s11+$0xFFFFFFFD]  }
0xa5: {  	s0 =	sand.u32 $0x70, s2;
	s4 =	sand.u32 $0x1FC00, s24;
	[tilespmem:s28+$0x4080] =	vst v4  }
0xa6: {  	s30 =	sor.u32 s0, s4;
	v4 =	vld [tilespmem:s22+$0x1];
	[tilespmem:s21+$0x4200] =	vst v2  }
0xa7: {  	[tilespmem:s30+$0x4000] =	vst v5;
	v6 =	vld [tilespmem:s17+$0xFFFFFFFE]  }
0xa8: {  	v7 =	vld [tilespmem:s25+$0x2];
	[tilespmem:s23+$0x4180] =	vst v1  }
0xa9: {  	v2 =	vld [tilespmem:s18+$0xFFFFFFFF];
	[tilespmem:s26+$0x4300] =	vst v3  }
0xaa: {  	s29 =	sadd.s32 $0x10, s25;
	v1 =	vld [tilespmem:s11+$0xFFFFFFFC]  }
0xab: {  	s2 =	sand.u32 $0x7, s15;
	v5 =	vld [tilespmem:s29+$0x3];
	[tilespmem:s28+$0x4100] =	vst v4  }
0xac: {  	s31 =	simm.s32 $0x60;
	s4 =	simm.s32 $0x50;
	s0 =	sshll.u32 s2, $0x4;
	v4 =	vld [tilespmem:s22+$0x0];
	[tilespmem:s21+$0x4280] =	vst v6  }
0xad: {  	s2 =	sand.u32 $0x70, s4;
	s0 =	sadd.s32 s0, s10;
	[tilespmem:s30+$0x4080] =	vst v7;
	s26 =	sadd.s32 $0x80, s24;
	v3 =	vld [tilespmem:s17+$0xFFFFFFFD]  }
.LBB2_6:
0xae: {  	p1 =	sne.s32 s31, $0x770;
	s1 =	sand.u32 $0x1FC00, s26;
	[tilespmem:s23+$0x4200] =	vst v2;
	s0 =	sor.u32 $0x380, s0  }
0xaf: {  	s1 =	sor.u32 s2, s1;
	v6 =	vld [tilespmem:s25+$0x1];
	[tilespmem:s0+$0x4000] =	vst v1;
	s0 =	smov.u32 s22;
	s22 =	smov.u32 s25  }
0xb0: {  	s4 =	smov.u32 s16;
	s16 =	smov.u32 s19;
	s25 =	smov.u32 s29;
	[tilespmem:s1+$0x4000] =	vst v5;
	v7 =	vld [tilespmem:s18+$0xFFFFFFFE]  }
0xb1: {  	s19 =	smov.u32 s20;
	s20 =	smov.u32 s24;
	s24 =	smov.u32 s26;
	v8 =	vld [tilespmem:s29+$0x2];
	[tilespmem:s28+$0x4180] =	vst v4  }
.Ltmp2:
0xb2: {  	v2 =	vld [tilespmem:s0+$0xFFFFFFFF];
	[tilespmem:s21+$0x4300] =	vst v3;
	s21 =	smov.u32 s23;
	s23 =	smov.u32 s28;
	(pc) =	sbr.rel @p1 .LBB2_6-.Ltmp2, $4  }
0xb3: {  	s15 =	sadd.s32 $0x1, s15;
	s29 =	sadd.s32 $0x10, s29;
	s28 =	smov.u32 s30;
	v1 =	vld [tilespmem:s17+$0xFFFFFFFC]  }
0xb4: {  	s2 =	sand.u32 $0x7, s15;
	s30 =	smov.u32 s1;
	s17 =	smov.u32 s18;
	v5 =	vld [tilespmem:s29+$0x3];
	[tilespmem:s28+$0x4100] =	vst v6  }
0xb5: {  	s26 =	sadd.s32 $0x80, s26;
	s1 =	sshll.u32 s2, $0x4;
	s18 =	smov.u32 s0;
	v4 =	vld [tilespmem:s22+$0x0];
	[tilespmem:s21+$0x4280] =	vst v7  }
0xb6: {  	s2 =	sand.u32 $0x70, s31;
	s31 =	sadd.s32 $0x10, s31;
	s0 =	sadd.s32 s1, s4;
	[tilespmem:s30+$0x4080] =	vst v8;
	v3 =	vld [tilespmem:s17+$0xFFFFFFFD]  }
0xb7: {  	s1 =	sand.u32 $0x1FC00, s26  }
0xb8: {  	s1 =	sor.u32 s2, s1  }
0xb9: {  	[tilespmem:s1+$0x4000] =	vst v5  }
0xba: {  	v5 =	vld [tilespmem:s29+$0x2];
	_ =	sdelay $0x4  }
0xbb: {  	v6 =	vld [tilespmem:s25+$0x1];
	[tilespmem:s1+$0x4080] =	vst v5  }
0xbc: {  	v5 =	vld [tilespmem:s29+$0x1];
	_ =	sdelay $0x3  }
0xbd: {  	[tilespmem:s30+$0x4100] =	vst v6  }
0xbe: {  	v6 =	vld [tilespmem:s25+$0x0];
	[tilespmem:s1+$0x4100] =	vst v5  }
0xbf: {  	v5 =	vld [tilespmem:s29+$0x0];
	_ =	sdelay $0x1  }
0xc0: {  	[tilespmem:s23+$0x4200] =	vst v2  }
0xc1: {  	v2 =	vld [tilespmem:s18+$0xFFFFFFFE];
	[tilespmem:s28+$0x4180] =	vst v4  }
0xc2: {  	v4 =	vld [tilespmem:s22+$0xFFFFFFFF];
	[tilespmem:s30+$0x4180] =	vst v6  }
0xc3: {  	v6 =	vld [tilespmem:s25+$0xFFFFFFFF];
	[tilespmem:s1+$0x4180] =	vst v5  }
0xc4: {  	v5 =	vld [tilespmem:s29+$0xFFFFFFFF];
	_ =	sdelay $0x1  }
0xc5: {  	[tilespmem:s23+$0x4280] =	vst v2  }
0xc6: {  	v2 =	vld [tilespmem:s18+$0xFFFFFFFD];
	[tilespmem:s28+$0x4200] =	vst v4  }
0xc7: {  	v4 =	vld [tilespmem:s22+$0xFFFFFFFE];
	[tilespmem:s30+$0x4200] =	vst v6  }
0xc8: {  	v6 =	vld [tilespmem:s25+$0xFFFFFFFE];
	[tilespmem:s1+$0x4200] =	vst v5  }
0xc9: {  	v5 =	vld [tilespmem:s29+$0xFFFFFFFE]  }
0xca: {  	[tilespmem:s21+$0x4300] =	vst v3  }
0xcb: {  	s15 =	sadd.s32 $0x1, s15;
	[tilespmem:s23+$0x4300] =	vst v2;
	v2 =	vld [tilespmem:s17+$0xFFFFFFFC]  }
0xcc: {  	s4 =	sand.u32 $0x7, s15;
	s2 =	sadd.s32 $0x1, s15;
	v3 =	vld [tilespmem:s18+$0xFFFFFFFC];
	[tilespmem:s28+$0x4280] =	vst v4  }
0xcd: {  	s4 =	sshll.u32 s4, $0x4;
	s21 =	sand.u32 $0x7, s2;
	v4 =	vld [tilespmem:s22+$0xFFFFFFFD];
	[tilespmem:s30+$0x4280] =	vst v6  }
0xce: {  	s4 =	sadd.s32 s4, s16;
	s15 =	sshll.u32 s21, $0x4;
	v6 =	vld [tilespmem:s25+$0xFFFFFFFD];
	[tilespmem:s1+$0x4280] =	vst v5  }
0xcf: {  	s4 =	sor.u32 $0x380, s4;
	s15 =	sadd.s32 s15, s19;
	v5 =	vld [tilespmem:s29+$0xFFFFFFFD]  }
0xd0: {  	s15 =	sor.u32 $0x380, s15;
	[tilespmem:s4+$0x4000] =	vst v2  }
0xd1: {  	[tilespmem:s15+$0x4000] =	vst v3  }
0xd2: {  	[tilespmem:s28+$0x4300] =	vst v4  }
0xd3: {  	s0 =	sor.u32 $0x380, s0;
	s2 =	sadd.s32 $0x1, s2;
	s4 =	simm.s32 $0x10;
	v4 =	vld [tilespmem:s22+$0xFFFFFFFC];
	[tilespmem:s30+$0x4300] =	vst v6  }
0xd4: {  	s15 =	simm.s32 $0x1;
	s22 =	sand.u32 $0x7, s2;
	s2 =	sadd.s32 $0x1, s2;
	v63 =	vld [tilespmem:s25+$0xFFFFFFFC];
	[tilespmem:s1+$0x4300] =	vst v5  }
0xd5: {  	[tilespmem:s0+$0x4000] =	vst v1;
	s16 =	sshll.u32 s22, $0x4;
	s23 =	sand.u32 $0x7, s2;
	s2 =	sadd.s32 $0x1, s2;
	v1 =	vld [tilespmem:s29+$0xFFFFFFFC]  }
0xd6: {  	s2 =	sand.u32 $0x7, s2;
	s25 =	sadd.s32 s16, s20;
	s1 =	sshll.u32 s23, $0x4  }
0xd7: {  	s2 =	sshll.u32 s2, $0x4;
	s0 =	sor.u32 $0x380, s25;
	s1 =	sadd.s32 s1, s24  }
0xd8: {  	s4 =	smov.u32 @p0 s15;
	[tilespmem:s0+$0x4000] =	vst v4;
	s29 =	sadd.s32 s2, s26;
	s28 =	sor.u32 $0x380, s1  }
0xd9: {  	s31 =	sshll.u32 s4, $0xA;
	s4 =	sshll.u32 s4, $0x10;
	s30 =	sor.u32 $0x380, s29;
	[tilespmem:s28+$0x4000] =	vst v63  }
0xda: {  	s15 =	sadd.s32 s4, s6;
	s0 =	simm.s32 $0x11;
	s2 =	ssub.s32 $0xC000, s31;
	[tilespmem:s30+$0x4000] =	vst v1  }
.LBB2_8:
0xdb: {  	[hbm4b:s15+s3] =	stream.linear.scatter [tilespmem:s2], [sflag:$0x1], $0x8000, $0x38;
	[tilespmem:$0x14800] =	vst v63  }
0xdc: {  	s1 =	smov.u32 s0;
	p1 =	sne.s32 s0, $0x1E  }
.Ltmp3:
0xdd: {  	s0 =	sadd.s32 $0x1, s0;
	(pc) =	sbr.rel @p1 .LBB2_8-.Ltmp3, $4  }
0xde: {  	s2 =	sadd.s32 $0xFFFFFFF1, s1  }
0xdf: {  	s1 =	smov.u32 @p0 s2  }
0xe0: {  	s2 =	sshll.u32 s1, $0xA;
	s1 =	sshll.u32 s1, $0x10  }
0xe1: {  	s2 =	ssub.s32 $0xC000, s2;
	s15 =	sadd.s32 s1, s6  }
0xe2: {  	[hbm4b:s15+s3] =	stream.linear.scatter [tilespmem:s2], [sflag:$0x1], $0x8000, $0x38;
	[tilespmem:$0x14800] =	vst v63  }
0xe3: {  	_ =	swait.ge [sflag:s13], $0x8000  }
0xe4: {  	[sflag:s13] =	ssyncset.done $0x0  }
0xe5: {  	[sflag:s13] =	ssyncadd.s32 $0xFFFF8000  }
0xe6: {  	_ =	swait.ge [sflag:s13], $0x8000  }
0xe7: {  	[sflag:s13] =	ssyncset.done $0x0  }
0xe8: {  	[sflag:s13] =	ssyncadd.s32 $0xFFFF8000  }
0xe9: {  	_ =	swait.ge [sflag:s13], $0x8000  }
0xea: {  	[sflag:s13] =	ssyncset.done $0x0  }
0xeb: {  	[sflag:s13] =	ssyncadd.s32 $0xFFFF8000  }
0xec: {  	_ =	swait.ge [sflag:s13], $0x8000  }
0xed: {  	[sflag:s13] =	ssyncset.done $0x0  }
0xee: {  	[sflag:s13] =	ssyncadd.s32 $0xFFFF8000  }
0xef: {  	_ =	swait.ge [sflag:s13], $0x8000  }
0xf0: {  	[sflag:s13] =	ssyncset.done $0x0  }
0xf1: {  	[sflag:s13] =	ssyncadd.s32 $0xFFFF8000  }
0xf2: {  	_ =	swait.ge [sflag:s13], $0x8000  }
0xf3: {  	[sflag:s13] =	ssyncset.done $0x0  }
0xf4: {  	[sflag:s13] =	ssyncadd.s32 $0xFFFF8000  }
0xf5: {  	_ =	swait.ge [sflag:s13], $0x8000  }
0xf6: {  	[sflag:s13] =	ssyncset.done $0x0  }
0xf7: {  	[sflag:s13] =	ssyncadd.s32 $0xFFFF8000  }
0xf8: {  	_ =	swait.ge [sflag:s13], $0x8000  }
0xf9: {  	[sflag:s13] =	ssyncset.done $0x0  }
0xfa: {  	[sflag:s13] =	ssyncadd.s32 $0xFFFF8000  }
0xfb: {  	_ =	swait.ge [sflag:s13], $0x8000  }
0xfc: {  	[sflag:s13] =	ssyncset.done $0x0  }
0xfd: {  	[sflag:s13] =	ssyncadd.s32 $0xFFFF8000  }
0xfe: {  	_ =	swait.ge [sflag:s13], $0x8000  }
0xff: {  	[sflag:s13] =	ssyncset.done $0x0  }
0x100: {  	[sflag:s13] =	ssyncadd.s32 $0xFFFF8000  }
0x101: {  	_ =	swait.ge [sflag:s13], $0x8000  }
0x102: {  	[sflag:s13] =	ssyncset.done $0x0  }
0x103: {  	[sflag:s13] =	ssyncadd.s32 $0xFFFF8000  }
0x104: {  	_ =	swait.ge [sflag:s13], $0x8000  }
0x105: {  	[sflag:s13] =	ssyncset.done $0x0  }
0x106: {  	[sflag:s13] =	ssyncadd.s32 $0xFFFF8000  }
0x107: {  	_ =	swait.ge [sflag:s13], $0x8000  }
0x108: {  	[sflag:s13] =	ssyncset.done $0x0  }
0x109: {  	[sflag:s13] =	ssyncadd.s32 $0xFFFF8000  }
0x10a: {  	_ =	swait.ge [sflag:s13], $0x8000  }
0x10b: {  	[sflag:s13] =	ssyncset.done $0x0  }
0x10c: {  	s14 =	sadd.s32 $0x1, s14;
	[sflag:s13] =	ssyncadd.s32 $0xFFFF8000  }
0x10d: {  	p1 =	sne.s32 s14, s7;
	_ =	swait.ge [sflag:s13], $0x8000  }
.Ltmp4:
0x10e: {  	[sflag:s13] =	ssyncset.done $0x0;
	(pc) =	sbr.rel @p1 .LBB2_1-.Ltmp4, $4  }
0x10f: {  	[sflag:s13] =	ssyncadd.s32 $0xFFFF8000  }
0x110: {  	_ =	swait.ge [sflag:s13], $0x8000  }
0x111: {  	[sflag:s13] =	ssyncset.done $0x0  }
0x112: {  	[sflag:s13] =	ssyncadd.s32 $0xFFFF8000  }
0x113: {  	_ =	sfence.sel $0x180000  }
0x114: {  	[bflag:$0x0] =	sbarrier.arrive $0xFFFF  }
0x115: {  	_ =	strace $0x90000047  }
0x116: {  	s0 =	stileid.u32;
	[bflag:$0x2] =	sbarrier.arrive $0xFFFF  }
0x117: {  	p0 =	sne.s32 s0, $0x0;
	s0 =	rddreg [dreg:$0x2]  }
0x118: {  	s0 =	sadd.s32 @!p0 $0x100000, s0  }
0x119: {  	[sflag:s0] =	ssyncadd.tile.s32 @!p0 $0x1;
	_ =	shalt  }
.Lfunc_end2:
_tile_overlayer_lowered:
.L_overlay_start_2:
0x11a: {  	(tag) =	ssettag $0x2  }
0x11b: {  	s0 =	rddreg [dreg:$0x0];
	s2 =	stileid.u32  }
0x11c: {  	s1 =	rddreg [dreg:$0x1];
	p0 =	sne.s32 s2, $0x0  }
0x11d: {  	s3 =	rddreg [dreg:$0x2];
	[bflag:$0x3] =	sbarrier.arrive $0xFFFF;
	s2 =	simm.s32 @!p0 $0x1C02  }
0x11e: {  	[timem:s3], [sflag:s2] =	dma.local @!p0 [hbm:s0], s1  }
0x11f: {  	s0 =	simm.s32 @!p0 $0x2  }
0x120: {  	_ =	swait.ge @!p0 [sflag:s0], s1  }
0x121: {  	s1 =	ssub.s32 @!p0 $0x0, s1;
	[sflag:s0] =	ssyncset.done @!p0 $0x0  }
0x122: {  	[sflag:s0] =	ssyncadd.s32 @!p0 s1  }
0x123: {  	[bflag:$0x3] =	sbarrier.arrive $0xFFFF  }
0x124: {  	_ =	shalt  }

</sc_bundles>
